<compile_context>
chip_gen: v7x
topology: tpu7x:2x2x1
jax: 0.10.2.dev20260603
libtpu: 0.0.44.dev20260713+nightly
codegen_flags: <defaults>
</compile_context>

<pallas_src>
import functools

import jax
import jax.numpy as jnp
from jax import lax
from jax.experimental import pallas as pl
from jax.experimental.pallas import tpu as pltpu
from jax.experimental.pallas import tpu_sc as plsc

_DIM = 32
_WD = 0.01
_NC = 2
_NS = 16
_NW = _NC * _NS
_LANES = 16
_CHUNK = 128


def _sc_body(nchunks, u_hbm, i_hbm, j_hbm, W_hbm, H_hbm, x_hbm, reg_hbm,
             idx_u, idx_i, idx_j, u_r, i_r, j_r, x_v, reg_v, sem):
    wid = lax.axis_index("s") * _NC + lax.axis_index("c")
    bpw = nchunks * _CHUNK
    base = wid * bpw

    cps = []
    for k in range(nchunks):
        sl = pl.ds(base + k * _CHUNK, _CHUNK)
        cps.append(pltpu.async_copy(u_hbm.at[sl], idx_u.at[k], sem))
        cps.append(pltpu.async_copy(i_hbm.at[sl], idx_i.at[k], sem))
        cps.append(pltpu.async_copy(j_hbm.at[sl], idx_j.at[k], sem))
    for cp in cps:
        cp.wait()

    lane = lax.broadcasted_iota(jnp.int32, (_LANES,), 0)

    def pass_body(p, sq0):
        cps = [
            pltpu.async_copy(W_hbm.at[idx_u.at[p]], u_r, sem),
            pltpu.async_copy(H_hbm.at[idx_i.at[p]], i_r, sem),
            pltpu.async_copy(H_hbm.at[idx_j.at[p]], j_r, sem),
        ]
        for cp in cps:
            cp.wait()

        def group(gg, sq):
            rowi = lane + gg * _LANES
            acc_ui = jnp.zeros((_LANES,), jnp.float32)
            acc_uj = jnp.zeros((_LANES,), jnp.float32)
            for d in range(_DIM):
                col = jnp.full((_LANES,), d, jnp.int32)
                uc = plsc.load_gather(u_r, [rowi, col])
                ic = plsc.load_gather(i_r, [rowi, col])
                jc = plsc.load_gather(j_r, [rowi, col])
                acc_ui = acc_ui + uc * ic
                acc_uj = acc_uj + uc * jc
                sq = sq + (uc * uc + ic * ic + jc * jc)
            x_v[pl.ds(p * _CHUNK + gg * _LANES, _LANES)] = acc_ui - acc_uj
            return sq

        return lax.fori_loop(0, _CHUNK // _LANES, group, sq0)

    reg = lax.fori_loop(0, nchunks, pass_body,
                        jnp.zeros((_LANES,), jnp.float32))
    reg_v[...] = reg
    pltpu.sync_copy(x_v, x_hbm.at[pl.ds(base, bpw)])
    pltpu.sync_copy(reg_v, reg_hbm.at[wid])


def _tc_body(x_ref, reg_ref, out_ref):
    xs = x_ref[...]
    ls = jnp.minimum(xs, 0.0) - jnp.log1p(jnp.exp(-jnp.abs(xs)))
    out_ref[0, 0] = -jnp.sum(ls) + _WD * jnp.sum(reg_ref[...])


def kernel(u, i, j, W, H):
    B = u.shape[0]
    nchunks = B // (_NW * _CHUNK)
    bpw = nchunks * _CHUNK
    mesh = plsc.VectorSubcoreMesh(core_axis_name="c", subcore_axis_name="s")

    sc = pl.kernel(
        functools.partial(_sc_body, nchunks),
        out_type=(
            jax.ShapeDtypeStruct((B,), jnp.float32),
            jax.ShapeDtypeStruct((_NW, _LANES), jnp.float32),
        ),
        mesh=mesh,
        compiler_params=pltpu.CompilerParams(
            needs_layout_passes=False, use_tc_tiling_on_sc=False),
        scratch_types=[
            pltpu.VMEM((nchunks, _CHUNK), jnp.int32),
            pltpu.VMEM((nchunks, _CHUNK), jnp.int32),
            pltpu.VMEM((nchunks, _CHUNK), jnp.int32),
            pltpu.VMEM((_CHUNK, _DIM), jnp.float32),
            pltpu.VMEM((_CHUNK, _DIM), jnp.float32),
            pltpu.VMEM((_CHUNK, _DIM), jnp.float32),
            pltpu.VMEM((bpw,), jnp.float32),
            pltpu.VMEM((_LANES,), jnp.float32),
            pltpu.SemaphoreType.DMA,
        ],
    )

    x, reg = sc(u.astype(jnp.int32), i.astype(jnp.int32), j.astype(jnp.int32),
                W, H)

    out = pl.pallas_call(
        _tc_body,
        out_shape=jax.ShapeDtypeStruct((1, 1), jnp.float32),
        out_specs=pl.BlockSpec(memory_space=pltpu.SMEM),
    )(x.reshape(B // 128, 128), reg)
    return out.reshape(())

# --- scband reference (transcript-rebuilt; emitter-appended) ---
"""Pipeline reference for scband-bpr-54417235640423 (READ-ONLY COPY).

The authoritative reference and input builder live on the scoring server;
editing this copy changes nothing except your own understanding.
"""

import jax, jax.numpy as jnp
import numpy as np

USER_SIZE = 1000000
ITEM_SIZE = 1000000
DIM = 32
BATCH = 16384
WEIGHT_DECAY = 0.01

def setup_inputs(seed: int = 0) -> dict:
    key = jax.random.key(seed)
    ku, ki, kj, kw, kh = jax.random.split(key, 5)
    u = jax.random.randint(ku, (BATCH,), 0, USER_SIZE, dtype=jnp.int64) if jax.config.jax_enable_x64 else jax.random.randint(ku, (BATCH,), 0, USER_SIZE, dtype=jnp.int32)
    i = jax.random.randint(ki, (BATCH,), 0, ITEM_SIZE, dtype=u.dtype)
    j = jax.random.randint(kj, (BATCH,), 0, ITEM_SIZE, dtype=u.dtype)
    W = jax.random.normal(kw, (USER_SIZE, DIM), dtype=jnp.float32) * 0.01
    H = jax.random.normal(kh, (ITEM_SIZE, DIM), dtype=jnp.float32) * 0.01
    return {"u": u, "i": i, "j": j, "W": W, "H": H}

def reference(u, i, j, W, H):
    # layer_num=0 -> W_layer/H_layer are identity
    u_emb = jnp.take(W, u, axis=0)
    i_emb = jnp.take(H, i, axis=0)
    j_emb = jnp.take(H, j, axis=0)
    x_ui = jnp.sum(u_emb * i_emb, axis=1)
    x_uj = jnp.sum(u_emb * j_emb, axis=1)
    x_uij = x_ui - x_uj
    log_prob = jnp.sum(jax.nn.log_sigmoid(x_uij))
    out = -log_prob
    # reg_type='part' -> add L2 regularization on gathered embeddings
    reg = (jnp.sum(jnp.sum(u_emb * u_emb, axis=1))
           + jnp.sum(jnp.sum(i_emb * i_emb, axis=1))
           + jnp.sum(jnp.sum(j_emb * j_emb, axis=1)))
    out = out + WEIGHT_DECAY * reg
    return out

if __name__ == "__main__":
    import jax
    _d = setup_inputs()
    print(jax.jit(kernel)(*tuple(_d.values())))

</pallas_src>

<mosaic_0001>
#map = affine_map<(d0, d1) -> (0)>
#map1 = affine_map<(d0, d1) -> (0, 0)>
module attributes {stable_mosaic.version = 14 : i64} {
  func.func @_sc_body(%arg0: i32, %arg1: i32, %arg2: memref<16384xi32, #tpu.memory_space<hbm>>, %arg3: memref<16384xi32, #tpu.memory_space<hbm>>, %arg4: memref<16384xi32, #tpu.memory_space<hbm>>, %arg5: memref<1000000x32xf32, #tpu.memory_space<hbm>>, %arg6: memref<1000000x32xf32, #tpu.memory_space<hbm>>, %arg7: memref<16384xf32, #tpu.memory_space<hbm>>, %arg8: memref<32x16xf32, #tpu.memory_space<hbm>>, %arg9: memref<4x128xi32, #tpu.memory_space<vmem>>, %arg10: memref<4x128xi32, #tpu.memory_space<vmem>>, %arg11: memref<4x128xi32, #tpu.memory_space<vmem>>, %arg12: memref<128x32xf32, #tpu.memory_space<vmem>>, %arg13: memref<128x32xf32, #tpu.memory_space<vmem>>, %arg14: memref<128x32xf32, #tpu.memory_space<vmem>>, %arg15: memref<512xf32, #tpu.memory_space<vmem>>, %arg16: memref<16xf32, #tpu.memory_space<vmem>>, %arg17: memref<!tpu.dma_semaphore, #tpu.memory_space<semaphore_mem>>) attributes {dimension_semantics = [#tpu.dimension_semantics<core_parallel>, #tpu.dimension_semantics<subcore_parallel>], iteration_bounds = array<i64: 2, 16>, scalar_prefetch = 0 : i64, scratch_operands = 9 : i64, tpu.core_type = #tpu.core_type<sc_vector_subcore>, window_params = [{transform_indices = #map}, {transform_indices = #map}, {transform_indices = #map}, {transform_indices = #map1}, {transform_indices = #map1}, {transform_indices = #map}, {transform_indices = #map1}]} {
    %mul3A = arith.constant 2 : i32
    %mul3A_0 = arith.muli %arg1, %mul3A : i32
    %add3A = arith.addi %mul3A_0, %arg0 : i32
    %mul3A_1 = arith.constant 512 : i32
    %mul3A_2 = arith.muli %add3A, %mul3A_1 : i32
    %add3A_3 = arith.constant 0 : i32
    %add3A_4 = arith.addi %mul3A_2, %add3A_3 : i32
    %dma_start3A = arith.constant 0 : i32
    %dma_start3A_5 = arith.constant 0 : i32
    %dma_start3A_6 = tpu.memref_slice %arg9[%dma_start3A, %dma_start3A_5] : memref<4x128xi32, #tpu.memory_space<vmem>> -> memref<1x128xi32, #tpu.memory_space<vmem>>
    %dma_start3A_7 = tpu.memref_squeeze %dma_start3A_6 : memref<1x128xi32, #tpu.memory_space<vmem>> -> memref<128xi32, #tpu.memory_space<vmem>>
    %dma_start3A_8 = tpu.memref_slice %arg2[%add3A_4] : memref<16384xi32, #tpu.memory_space<hbm>> -> memref<128xi32, #tpu.memory_space<hbm>>
    %dma_start3A_9 = arith.constant 0 : i32
    %dma_start3A_10 = tpu.memref_slice %arg9[%dma_start3A, %dma_start3A_9] : memref<4x128xi32, #tpu.memory_space<vmem>> -> memref<1x128xi32, #tpu.memory_space<vmem>>
    %dma_start3A_11 = tpu.memref_squeeze %dma_start3A_10 : memref<1x128xi32, #tpu.memory_space<vmem>> -> memref<128xi32, #tpu.memory_space<vmem>>
    %dma_start3A_12 = tpu.memref_slice %arg2[%add3A_4] : memref<16384xi32, #tpu.memory_space<hbm>> -> memref<128xi32, #tpu.memory_space<hbm>>
    tpu.enqueue_dma source(%dma_start3A_12 : memref<128xi32, #tpu.memory_space<hbm>>) target(%dma_start3A_11 : memref<128xi32, #tpu.memory_space<vmem>>) target_semaphore(%arg17 : memref<!tpu.dma_semaphore, #tpu.memory_space<semaphore_mem>>)
    %dma_start3A_13 = arith.constant 0 : i32
    %dma_start3A_14 = arith.constant 0 : i32
    %dma_start3A_15 = tpu.memref_slice %arg10[%dma_start3A_13, %dma_start3A_14] : memref<4x128xi32, #tpu.memory_space<vmem>> -> memref<1x128xi32, #tpu.memory_space<vmem>>
    %dma_start3A_16 = tpu.memref_squeeze %dma_start3A_15 : memref<1x128xi32, #tpu.memory_space<vmem>> -> memref<128xi32, #tpu.memory_space<vmem>>
    %dma_start3A_17 = tpu.memref_slice %arg3[%add3A_4] : memref<16384xi32, #tpu.memory_space<hbm>> -> memref<128xi32, #tpu.memory_space<hbm>>
    %dma_start3A_18 = arith.constant 0 : i32
    %dma_start3A_19 = tpu.memref_slice %arg10[%dma_start3A_13, %dma_start3A_18] : memref<4x128xi32, #tpu.memory_space<vmem>> -> memref<1x128xi32, #tpu.memory_space<vmem>>
    %dma_start3A_20 = tpu.memref_squeeze %dma_start3A_19 : memref<1x128xi32, #tpu.memory_space<vmem>> -> memref<128xi32, #tpu.memory_space<vmem>>
    %dma_start3A_21 = tpu.memref_slice %arg3[%add3A_4] : memref<16384xi32, #tpu.memory_space<hbm>> -> memref<128xi32, #tpu.memory_space<hbm>>
    tpu.enqueue_dma source(%dma_start3A_21 : memref<128xi32, #tpu.memory_space<hbm>>) target(%dma_start3A_20 : memref<128xi32, #tpu.memory_space<vmem>>) target_semaphore(%arg17 : memref<!tpu.dma_semaphore, #tpu.memory_space<semaphore_mem>>)
    %dma_start3A_22 = arith.constant 0 : i32
    %dma_start3A_23 = arith.constant 0 : i32
    %dma_start3A_24 = tpu.memref_slice %arg11[%dma_start3A_22, %dma_start3A_23] : memref<4x128xi32, #tpu.memory_space<vmem>> -> memref<1x128xi32, #tpu.memory_space<vmem>>
    %dma_start3A_25 = tpu.memref_squeeze %dma_start3A_24 : memref<1x128xi32, #tpu.memory_space<vmem>> -> memref<128xi32, #tpu.memory_space<vmem>>
    %dma_start3A_26 = tpu.memref_slice %arg4[%add3A_4] : memref<16384xi32, #tpu.memory_space<hbm>> -> memref<128xi32, #tpu.memory_space<hbm>>
    %dma_start3A_27 = arith.constant 0 : i32
    %dma_start3A_28 = tpu.memref_slice %arg11[%dma_start3A_22, %dma_start3A_27] : memref<4x128xi32, #tpu.memory_space<vmem>> -> memref<1x128xi32, #tpu.memory_space<vmem>>
    %dma_start3A_29 = tpu.memref_squeeze %dma_start3A_28 : memref<1x128xi32, #tpu.memory_space<vmem>> -> memref<128xi32, #tpu.memory_space<vmem>>
    %dma_start3A_30 = tpu.memref_slice %arg4[%add3A_4] : memref<16384xi32, #tpu.memory_space<hbm>> -> memref<128xi32, #tpu.memory_space<hbm>>
    tpu.enqueue_dma source(%dma_start3A_30 : memref<128xi32, #tpu.memory_space<hbm>>) target(%dma_start3A_29 : memref<128xi32, #tpu.memory_space<vmem>>) target_semaphore(%arg17 : memref<!tpu.dma_semaphore, #tpu.memory_space<semaphore_mem>>)
    %add3A_31 = arith.constant 128 : i32
    %add3A_32 = arith.addi %mul3A_2, %add3A_31 : i32
    %dma_start3A_33 = arith.constant 1 : i32
    %dma_start3A_34 = arith.constant 0 : i32
    %dma_start3A_35 = tpu.memref_slice %arg9[%dma_start3A_33, %dma_start3A_34] : memref<4x128xi32, #tpu.memory_space<vmem>> -> memref<1x128xi32, #tpu.memory_space<vmem>>
    %dma_start3A_36 = tpu.memref_squeeze %dma_start3A_35 : memref<1x128xi32, #tpu.memory_space<vmem>> -> memref<128xi32, #tpu.memory_space<vmem>>
    %dma_start3A_37 = tpu.memref_slice %arg2[%add3A_32] : memref<16384xi32, #tpu.memory_space<hbm>> -> memref<128xi32, #tpu.memory_space<hbm>>
    %dma_start3A_38 = arith.constant 0 : i32
    %dma_start3A_39 = tpu.memref_slice %arg9[%dma_start3A_33, %dma_start3A_38] : memref<4x128xi32, #tpu.memory_space<vmem>> -> memref<1x128xi32, #tpu.memory_space<vmem>>
    %dma_start3A_40 = tpu.memref_squeeze %dma_start3A_39 : memref<1x128xi32, #tpu.memory_space<vmem>> -> memref<128xi32, #tpu.memory_space<vmem>>
    %dma_start3A_41 = tpu.memref_slice %arg2[%add3A_32] : memref<16384xi32, #tpu.memory_space<hbm>> -> memref<128xi32, #tpu.memory_space<hbm>>
    tpu.enqueue_dma source(%dma_start3A_41 : memref<128xi32, #tpu.memory_space<hbm>>) target(%dma_start3A_40 : memref<128xi32, #tpu.memory_space<vmem>>) target_semaphore(%arg17 : memref<!tpu.dma_semaphore, #tpu.memory_space<semaphore_mem>>)
    %dma_start3A_42 = arith.constant 1 : i32
    %dma_start3A_43 = arith.constant 0 : i32
    %dma_start3A_44 = tpu.memref_slice %arg10[%dma_start3A_42, %dma_start3A_43] : memref<4x128xi32, #tpu.memory_space<vmem>> -> memref<1x128xi32, #tpu.memory_space<vmem>>
    %dma_start3A_45 = tpu.memref_squeeze %dma_start3A_44 : memref<1x128xi32, #tpu.memory_space<vmem>> -> memref<128xi32, #tpu.memory_space<vmem>>
    %dma_start3A_46 = tpu.memref_slice %arg3[%add3A_32] : memref<16384xi32, #tpu.memory_space<hbm>> -> memref<128xi32, #tpu.memory_space<hbm>>
    %dma_start3A_47 = arith.constant 0 : i32
    %dma_start3A_48 = tpu.memref_slice %arg10[%dma_start3A_42, %dma_start3A_47] : memref<4x128xi32, #tpu.memory_space<vmem>> -> memref<1x128xi32, #tpu.memory_space<vmem>>
    %dma_start3A_49 = tpu.memref_squeeze %dma_start3A_48 : memref<1x128xi32, #tpu.memory_space<vmem>> -> memref<128xi32, #tpu.memory_space<vmem>>
    %dma_start3A_50 = tpu.memref_slice %arg3[%add3A_32] : memref<16384xi32, #tpu.memory_space<hbm>> -> memref<128xi32, #tpu.memory_space<hbm>>
    tpu.enqueue_dma source(%dma_start3A_50 : memref<128xi32, #tpu.memory_space<hbm>>) target(%dma_start3A_49 : memref<128xi32, #tpu.memory_space<vmem>>) target_semaphore(%arg17 : memref<!tpu.dma_semaphore, #tpu.memory_space<semaphore_mem>>)
    %dma_start3A_51 = arith.constant 1 : i32
    %dma_start3A_52 = arith.constant 0 : i32
    %dma_start3A_53 = tpu.memref_slice %arg11[%dma_start3A_51, %dma_start3A_52] : memref<4x128xi32, #tpu.memory_space<vmem>> -> memref<1x128xi32, #tpu.memory_space<vmem>>
    %dma_start3A_54 = tpu.memref_squeeze %dma_start3A_53 : memref<1x128xi32, #tpu.memory_space<vmem>> -> memref<128xi32, #tpu.memory_space<vmem>>
    %dma_start3A_55 = tpu.memref_slice %arg4[%add3A_32] : memref<16384xi32, #tpu.memory_space<hbm>> -> memref<128xi32, #tpu.memory_space<hbm>>
    %dma_start3A_56 = arith.constant 0 : i32
    %dma_start3A_57 = tpu.memref_slice %arg11[%dma_start3A_51, %dma_start3A_56] : memref<4x128xi32, #tpu.memory_space<vmem>> -> memref<1x128xi32, #tpu.memory_space<vmem>>
    %dma_start3A_58 = tpu.memref_squeeze %dma_start3A_57 : memref<1x128xi32, #tpu.memory_space<vmem>> -> memref<128xi32, #tpu.memory_space<vmem>>
    %dma_start3A_59 = tpu.memref_slice %arg4[%add3A_32] : memref<16384xi32, #tpu.memory_space<hbm>> -> memref<128xi32, #tpu.memory_space<hbm>>
    tpu.enqueue_dma source(%dma_start3A_59 : memref<128xi32, #tpu.memory_space<hbm>>) target(%dma_start3A_58 : memref<128xi32, #tpu.memory_space<vmem>>) target_semaphore(%arg17 : memref<!tpu.dma_semaphore, #tpu.memory_space<semaphore_mem>>)
    %add3A_60 = arith.constant 256 : i32
    %add3A_61 = arith.addi %mul3A_2, %add3A_60 : i32
    %dma_start3A_62 = arith.constant 2 : i32
    %dma_start3A_63 = arith.constant 0 : i32
    %dma_start3A_64 = tpu.memref_slice %arg9[%dma_start3A_62, %dma_start3A_63] : memref<4x128xi32, #tpu.memory_space<vmem>> -> memref<1x128xi32, #tpu.memory_space<vmem>>
    %dma_start3A_65 = tpu.memref_squeeze %dma_start3A_64 : memref<1x128xi32, #tpu.memory_space<vmem>> -> memref<128xi32, #tpu.memory_space<vmem>>
    %dma_start3A_66 = tpu.memref_slice %arg2[%add3A_61] : memref<16384xi32, #tpu.memory_space<hbm>> -> memref<128xi32, #tpu.memory_space<hbm>>
    %dma_start3A_67 = arith.constant 0 : i32
    %dma_start3A_68 = tpu.memref_slice %arg9[%dma_start3A_62, %dma_start3A_67] : memref<4x128xi32, #tpu.memory_space<vmem>> -> memref<1x128xi32, #tpu.memory_space<vmem>>
    %dma_start3A_69 = tpu.memref_squeeze %dma_start3A_68 : memref<1x128xi32, #tpu.memory_space<vmem>> -> memref<128xi32, #tpu.memory_space<vmem>>
    %dma_start3A_70 = tpu.memref_slice %arg2[%add3A_61] : memref<16384xi32, #tpu.memory_space<hbm>> -> memref<128xi32, #tpu.memory_space<hbm>>
    tpu.enqueue_dma source(%dma_start3A_70 : memref<128xi32, #tpu.memory_space<hbm>>) target(%dma_start3A_69 : memref<128xi32, #tpu.memory_space<vmem>>) target_semaphore(%arg17 : memref<!tpu.dma_semaphore, #tpu.memory_space<semaphore_mem>>)
    %dma_start3A_71 = arith.constant 2 : i32
    %dma_start3A_72 = arith.constant 0 : i32
    %dma_start3A_73 = tpu.memref_slice %arg10[%dma_start3A_71, %dma_start3A_72] : memref<4x128xi32, #tpu.memory_space<vmem>> -> memref<1x128xi32, #tpu.memory_space<vmem>>
    %dma_start3A_74 = tpu.memref_squeeze %dma_start3A_73 : memref<1x128xi32, #tpu.memory_space<vmem>> -> memref<128xi32, #tpu.memory_space<vmem>>
    %dma_start3A_75 = tpu.memref_slice %arg3[%add3A_61] : memref<16384xi32, #tpu.memory_space<hbm>> -> memref<128xi32, #tpu.memory_space<hbm>>
    %dma_start3A_76 = arith.constant 0 : i32
    %dma_start3A_77 = tpu.memref_slice %arg10[%dma_start3A_71, %dma_start3A_76] : memref<4x128xi32, #tpu.memory_space<vmem>> -> memref<1x128xi32, #tpu.memory_space<vmem>>
    %dma_start3A_78 = tpu.memref_squeeze %dma_start3A_77 : memref<1x128xi32, #tpu.memory_space<vmem>> -> memref<128xi32, #tpu.memory_space<vmem>>
    %dma_start3A_79 = tpu.memref_slice %arg3[%add3A_61] : memref<16384xi32, #tpu.memory_space<hbm>> -> memref<128xi32, #tpu.memory_space<hbm>>
    tpu.enqueue_dma source(%dma_start3A_79 : memref<128xi32, #tpu.memory_space<hbm>>) target(%dma_start3A_78 : memref<128xi32, #tpu.memory_space<vmem>>) target_semaphore(%arg17 : memref<!tpu.dma_semaphore, #tpu.memory_space<semaphore_mem>>)
    %dma_start3A_80 = arith.constant 2 : i32
    %dma_start3A_81 = arith.constant 0 : i32
    %dma_start3A_82 = tpu.memref_slice %arg11[%dma_start3A_80, %dma_start3A_81] : memref<4x128xi32, #tpu.memory_space<vmem>> -> memref<1x128xi32, #tpu.memory_space<vmem>>
    %dma_start3A_83 = tpu.memref_squeeze %dma_start3A_82 : memref<1x128xi32, #tpu.memory_space<vmem>> -> memref<128xi32, #tpu.memory_space<vmem>>
    %dma_start3A_84 = tpu.memref_slice %arg4[%add3A_61] : memref<16384xi32, #tpu.memory_space<hbm>> -> memref<128xi32, #tpu.memory_space<hbm>>
    %dma_start3A_85 = arith.constant 0 : i32
    %dma_start3A_86 = tpu.memref_slice %arg11[%dma_start3A_80, %dma_start3A_85] : memref<4x128xi32, #tpu.memory_space<vmem>> -> memref<1x128xi32, #tpu.memory_space<vmem>>
    %dma_start3A_87 = tpu.memref_squeeze %dma_start3A_86 : memref<1x128xi32, #tpu.memory_space<vmem>> -> memref<128xi32, #tpu.memory_space<vmem>>
    %dma_start3A_88 = tpu.memref_slice %arg4[%add3A_61] : memref<16384xi32, #tpu.memory_space<hbm>> -> memref<128xi32, #tpu.memory_space<hbm>>
    tpu.enqueue_dma source(%dma_start3A_88 : memref<128xi32, #tpu.memory_space<hbm>>) target(%dma_start3A_87 : memref<128xi32, #tpu.memory_space<vmem>>) target_semaphore(%arg17 : memref<!tpu.dma_semaphore, #tpu.memory_space<semaphore_mem>>)
    %add3A_89 = arith.constant 384 : i32
    %add3A_90 = arith.addi %mul3A_2, %add3A_89 : i32
    %dma_start3A_91 = arith.constant 3 : i32
    %dma_start3A_92 = arith.constant 0 : i32
    %dma_start3A_93 = tpu.memref_slice %arg9[%dma_start3A_91, %dma_start3A_92] : memref<4x128xi32, #tpu.memory_space<vmem>> -> memref<1x128xi32, #tpu.memory_space<vmem>>
    %dma_start3A_94 = tpu.memref_squeeze %dma_start3A_93 : memref<1x128xi32, #tpu.memory_space<vmem>> -> memref<128xi32, #tpu.memory_space<vmem>>
    %dma_start3A_95 = tpu.memref_slice %arg2[%add3A_90] : memref<16384xi32, #tpu.memory_space<hbm>> -> memref<128xi32, #tpu.memory_space<hbm>>
    %dma_start3A_96 = arith.constant 0 : i32
    %dma_start3A_97 = tpu.memref_slice %arg9[%dma_start3A_91, %dma_start3A_96] : memref<4x128xi32, #tpu.memory_space<vmem>> -> memref<1x128xi32, #tpu.memory_space<vmem>>
    %dma_start3A_98 = tpu.memref_squeeze %dma_start3A_97 : memref<1x128xi32, #tpu.memory_space<vmem>> -> memref<128xi32, #tpu.memory_space<vmem>>
    %dma_start3A_99 = tpu.memref_slice %arg2[%add3A_90] : memref<16384xi32, #tpu.memory_space<hbm>> -> memref<128xi32, #tpu.memory_space<hbm>>
    tpu.enqueue_dma source(%dma_start3A_99 : memref<128xi32, #tpu.memory_space<hbm>>) target(%dma_start3A_98 : memref<128xi32, #tpu.memory_space<vmem>>) target_semaphore(%arg17 : memref<!tpu.dma_semaphore, #tpu.memory_space<semaphore_mem>>)
    %dma_start3A_100 = arith.constant 3 : i32
    %dma_start3A_101 = arith.constant 0 : i32
    %dma_start3A_102 = tpu.memref_slice %arg10[%dma_start3A_100, %dma_start3A_101] : memref<4x128xi32, #tpu.memory_space<vmem>> -> memref<1x128xi32, #tpu.memory_space<vmem>>
    %dma_start3A_103 = tpu.memref_squeeze %dma_start3A_102 : memref<1x128xi32, #tpu.memory_space<vmem>> -> memref<128xi32, #tpu.memory_space<vmem>>
    %dma_start3A_104 = tpu.memref_slice %arg3[%add3A_90] : memref<16384xi32, #tpu.memory_space<hbm>> -> memref<128xi32, #tpu.memory_space<hbm>>
    %dma_start3A_105 = arith.constant 0 : i32
    %dma_start3A_106 = tpu.memref_slice %arg10[%dma_start3A_100, %dma_start3A_105] : memref<4x128xi32, #tpu.memory_space<vmem>> -> memref<1x128xi32, #tpu.memory_space<vmem>>
    %dma_start3A_107 = tpu.memref_squeeze %dma_start3A_106 : memref<1x128xi32, #tpu.memory_space<vmem>> -> memref<128xi32, #tpu.memory_space<vmem>>
    %dma_start3A_108 = tpu.memref_slice %arg3[%add3A_90] : memref<16384xi32, #tpu.memory_space<hbm>> -> memref<128xi32, #tpu.memory_space<hbm>>
    tpu.enqueue_dma source(%dma_start3A_108 : memref<128xi32, #tpu.memory_space<hbm>>) target(%dma_start3A_107 : memref<128xi32, #tpu.memory_space<vmem>>) target_semaphore(%arg17 : memref<!tpu.dma_semaphore, #tpu.memory_space<semaphore_mem>>)
    %dma_start3A_109 = arith.constant 3 : i32
    %dma_start3A_110 = arith.constant 0 : i32
    %dma_start3A_111 = tpu.memref_slice %arg11[%dma_start3A_109, %dma_start3A_110] : memref<4x128xi32, #tpu.memory_space<vmem>> -> memref<1x128xi32, #tpu.memory_space<vmem>>
    %dma_start3A_112 = tpu.memref_squeeze %dma_start3A_111 : memref<1x128xi32, #tpu.memory_space<vmem>> -> memref<128xi32, #tpu.memory_space<vmem>>
    %dma_start3A_113 = tpu.memref_slice %arg4[%add3A_90] : memref<16384xi32, #tpu.memory_space<hbm>> -> memref<128xi32, #tpu.memory_space<hbm>>
    %dma_start3A_114 = arith.constant 0 : i32
    %dma_start3A_115 = tpu.memref_slice %arg11[%dma_start3A_109, %dma_start3A_114] : memref<4x128xi32, #tpu.memory_space<vmem>> -> memref<1x128xi32, #tpu.memory_space<vmem>>
    %dma_start3A_116 = tpu.memref_squeeze %dma_start3A_115 : memref<1x128xi32, #tpu.memory_space<vmem>> -> memref<128xi32, #tpu.memory_space<vmem>>
    %dma_start3A_117 = tpu.memref_slice %arg4[%add3A_90] : memref<16384xi32, #tpu.memory_space<hbm>> -> memref<128xi32, #tpu.memory_space<hbm>>
    tpu.enqueue_dma source(%dma_start3A_117 : memref<128xi32, #tpu.memory_space<hbm>>) target(%dma_start3A_116 : memref<128xi32, #tpu.memory_space<vmem>>) target_semaphore(%arg17 : memref<!tpu.dma_semaphore, #tpu.memory_space<semaphore_mem>>)
    %dma_wait3A = arith.constant 0 : i32
    %dma_wait3A_118 = arith.constant 0 : i32
    %dma_wait3A_119 = tpu.memref_slice %arg9[%dma_wait3A, %dma_wait3A_118] : memref<4x128xi32, #tpu.memory_space<vmem>> -> memref<1x128xi32, #tpu.memory_space<vmem>>
    %dma_wait3A_120 = tpu.memref_squeeze %dma_wait3A_119 : memref<1x128xi32, #tpu.memory_space<vmem>> -> memref<128xi32, #tpu.memory_space<vmem>>
    %dma_wait3A_121 = tpu.memref_slice %arg2[%add3A_4] : memref<16384xi32, #tpu.memory_space<hbm>> -> memref<128xi32, #tpu.memory_space<hbm>>
    %dma_wait3A_122 = arith.constant 0 : i32
    %dma_wait3A_123 = tpu.memref_slice %arg9[%dma_wait3A, %dma_wait3A_122] : memref<4x128xi32, #tpu.memory_space<vmem>> -> memref<1x128xi32, #tpu.memory_space<vmem>>
    %dma_wait3A_124 = tpu.memref_squeeze %dma_wait3A_123 : memref<1x128xi32, #tpu.memory_space<vmem>> -> memref<128xi32, #tpu.memory_space<vmem>>
    %dma_wait3A_125 = tpu.memref_slice %arg2[%add3A_4] : memref<16384xi32, #tpu.memory_space<hbm>> -> memref<128xi32, #tpu.memory_space<hbm>>
    tpu.wait_dma2 semaphore(%arg17 : memref<!tpu.dma_semaphore, #tpu.memory_space<semaphore_mem>>) src(%dma_wait3A_125 : memref<128xi32, #tpu.memory_space<hbm>>) dst(%dma_wait3A_124 : memref<128xi32, #tpu.memory_space<vmem>>)
    %dma_wait3A_126 = arith.constant 0 : i32
    %dma_wait3A_127 = arith.constant 0 : i32
    %dma_wait3A_128 = tpu.memref_slice %arg10[%dma_wait3A_126, %dma_wait3A_127] : memref<4x128xi32, #tpu.memory_space<vmem>> -> memref<1x128xi32, #tpu.memory_space<vmem>>
    %dma_wait3A_129 = tpu.memref_squeeze %dma_wait3A_128 : memref<1x128xi32, #tpu.memory_space<vmem>> -> memref<128xi32, #tpu.memory_space<vmem>>
    %dma_wait3A_130 = tpu.memref_slice %arg3[%add3A_4] : memref<16384xi32, #tpu.memory_space<hbm>> -> memref<128xi32, #tpu.memory_space<hbm>>
    %dma_wait3A_131 = arith.constant 0 : i32
    %dma_wait3A_132 = tpu.memref_slice %arg10[%dma_wait3A_126, %dma_wait3A_131] : memref<4x128xi32, #tpu.memory_space<vmem>> -> memref<1x128xi32, #tpu.memory_space<vmem>>
    %dma_wait3A_133 = tpu.memref_squeeze %dma_wait3A_132 : memref<1x128xi32, #tpu.memory_space<vmem>> -> memref<128xi32, #tpu.memory_space<vmem>>
    %dma_wait3A_134 = tpu.memref_slice %arg3[%add3A_4] : memref<16384xi32, #tpu.memory_space<hbm>> -> memref<128xi32, #tpu.memory_space<hbm>>
    tpu.wait_dma2 semaphore(%arg17 : memref<!tpu.dma_semaphore, #tpu.memory_space<semaphore_mem>>) src(%dma_wait3A_134 : memref<128xi32, #tpu.memory_space<hbm>>) dst(%dma_wait3A_133 : memref<128xi32, #tpu.memory_space<vmem>>)
    %dma_wait3A_135 = arith.constant 0 : i32
    %dma_wait3A_136 = arith.constant 0 : i32
    %dma_wait3A_137 = tpu.memref_slice %arg11[%dma_wait3A_135, %dma_wait3A_136] : memref<4x128xi32, #tpu.memory_space<vmem>> -> memref<1x128xi32, #tpu.memory_space<vmem>>
    %dma_wait3A_138 = tpu.memref_squeeze %dma_wait3A_137 : memref<1x128xi32, #tpu.memory_space<vmem>> -> memref<128xi32, #tpu.memory_space<vmem>>
    %dma_wait3A_139 = tpu.memref_slice %arg4[%add3A_4] : memref<16384xi32, #tpu.memory_space<hbm>> -> memref<128xi32, #tpu.memory_space<hbm>>
    %dma_wait3A_140 = arith.constant 0 : i32
    %dma_wait3A_141 = tpu.memref_slice %arg11[%dma_wait3A_135, %dma_wait3A_140] : memref<4x128xi32, #tpu.memory_space<vmem>> -> memref<1x128xi32, #tpu.memory_space<vmem>>
    %dma_wait3A_142 = tpu.memref_squeeze %dma_wait3A_141 : memref<1x128xi32, #tpu.memory_space<vmem>> -> memref<128xi32, #tpu.memory_space<vmem>>
    %dma_wait3A_143 = tpu.memref_slice %arg4[%add3A_4] : memref<16384xi32, #tpu.memory_space<hbm>> -> memref<128xi32, #tpu.memory_space<hbm>>
    tpu.wait_dma2 semaphore(%arg17 : memref<!tpu.dma_semaphore, #tpu.memory_space<semaphore_mem>>) src(%dma_wait3A_143 : memref<128xi32, #tpu.memory_space<hbm>>) dst(%dma_wait3A_142 : memref<128xi32, #tpu.memory_space<vmem>>)
    %dma_wait3A_144 = arith.constant 1 : i32
    %dma_wait3A_145 = arith.constant 0 : i32
    %dma_wait3A_146 = tpu.memref_slice %arg9[%dma_wait3A_144, %dma_wait3A_145] : memref<4x128xi32, #tpu.memory_space<vmem>> -> memref<1x128xi32, #tpu.memory_space<vmem>>
    %dma_wait3A_147 = tpu.memref_squeeze %dma_wait3A_146 : memref<1x128xi32, #tpu.memory_space<vmem>> -> memref<128xi32, #tpu.memory_space<vmem>>
    %dma_wait3A_148 = tpu.memref_slice %arg2[%add3A_32] : memref<16384xi32, #tpu.memory_space<hbm>> -> memref<128xi32, #tpu.memory_space<hbm>>
    %dma_wait3A_149 = arith.constant 0 : i32
    %dma_wait3A_150 = tpu.memref_slice %arg9[%dma_wait3A_144, %dma_wait3A_149] : memref<4x128xi32, #tpu.memory_space<vmem>> -> memref<1x128xi32, #tpu.memory_space<vmem>>
    %dma_wait3A_151 = tpu.memref_squeeze %dma_wait3A_150 : memref<1x128xi32, #tpu.memory_space<vmem>> -> memref<128xi32, #tpu.memory_space<vmem>>
    %dma_wait3A_152 = tpu.memref_slice %arg2[%add3A_32] : memref<16384xi32, #tpu.memory_space<hbm>> -> memref<128xi32, #tpu.memory_space<hbm>>
    tpu.wait_dma2 semaphore(%arg17 : memref<!tpu.dma_semaphore, #tpu.memory_space<semaphore_mem>>) src(%dma_wait3A_152 : memref<128xi32, #tpu.memory_space<hbm>>) dst(%dma_wait3A_151 : memref<128xi32, #tpu.memory_space<vmem>>)
    %dma_wait3A_153 = arith.constant 1 : i32
    %dma_wait3A_154 = arith.constant 0 : i32
    %dma_wait3A_155 = tpu.memref_slice %arg10[%dma_wait3A_153, %dma_wait3A_154] : memref<4x128xi32, #tpu.memory_space<vmem>> -> memref<1x128xi32, #tpu.memory_space<vmem>>
    %dma_wait3A_156 = tpu.memref_squeeze %dma_wait3A_155 : memref<1x128xi32, #tpu.memory_space<vmem>> -> memref<128xi32, #tpu.memory_space<vmem>>
    %dma_wait3A_157 = tpu.memref_slice %arg3[%add3A_32] : memref<16384xi32, #tpu.memory_space<hbm>> -> memref<128xi32, #tpu.memory_space<hbm>>
    %dma_wait3A_158 = arith.constant 0 : i32
    %dma_wait3A_159 = tpu.memref_slice %arg10[%dma_wait3A_153, %dma_wait3A_158] : memref<4x128xi32, #tpu.memory_space<vmem>> -> memref<1x128xi32, #tpu.memory_space<vmem>>
    %dma_wait3A_160 = tpu.memref_squeeze %dma_wait3A_159 : memref<1x128xi32, #tpu.memory_space<vmem>> -> memref<128xi32, #tpu.memory_space<vmem>>
    %dma_wait3A_161 = tpu.memref_slice %arg3[%add3A_32] : memref<16384xi32, #tpu.memory_space<hbm>> -> memref<128xi32, #tpu.memory_space<hbm>>
    tpu.wait_dma2 semaphore(%arg17 : memref<!tpu.dma_semaphore, #tpu.memory_space<semaphore_mem>>) src(%dma_wait3A_161 : memref<128xi32, #tpu.memory_space<hbm>>) dst(%dma_wait3A_160 : memref<128xi32, #tpu.memory_space<vmem>>)
    %dma_wait3A_162 = arith.constant 1 : i32
    %dma_wait3A_163 = arith.constant 0 : i32
    %dma_wait3A_164 = tpu.memref_slice %arg11[%dma_wait3A_162, %dma_wait3A_163] : memref<4x128xi32, #tpu.memory_space<vmem>> -> memref<1x128xi32, #tpu.memory_space<vmem>>
    %dma_wait3A_165 = tpu.memref_squeeze %dma_wait3A_164 : memref<1x128xi32, #tpu.memory_space<vmem>> -> memref<128xi32, #tpu.memory_space<vmem>>
    %dma_wait3A_166 = tpu.memref_slice %arg4[%add3A_32] : memref<16384xi32, #tpu.memory_space<hbm>> -> memref<128xi32, #tpu.memory_space<hbm>>
    %dma_wait3A_167 = arith.constant 0 : i32
    %dma_wait3A_168 = tpu.memref_slice %arg11[%dma_wait3A_162, %dma_wait3A_167] : memref<4x128xi32, #tpu.memory_space<vmem>> -> memref<1x128xi32, #tpu.memory_space<vmem>>
    %dma_wait3A_169 = tpu.memref_squeeze %dma_wait3A_168 : memref<1x128xi32, #tpu.memory_space<vmem>> -> memref<128xi32, #tpu.memory_space<vmem>>
    %dma_wait3A_170 = tpu.memref_slice %arg4[%add3A_32] : memref<16384xi32, #tpu.memory_space<hbm>> -> memref<128xi32, #tpu.memory_space<hbm>>
    tpu.wait_dma2 semaphore(%arg17 : memref<!tpu.dma_semaphore, #tpu.memory_space<semaphore_mem>>) src(%dma_wait3A_170 : memref<128xi32, #tpu.memory_space<hbm>>) dst(%dma_wait3A_169 : memref<128xi32, #tpu.memory_space<vmem>>)
    %dma_wait3A_171 = arith.constant 2 : i32
    %dma_wait3A_172 = arith.constant 0 : i32
    %dma_wait3A_173 = tpu.memref_slice %arg9[%dma_wait3A_171, %dma_wait3A_172] : memref<4x128xi32, #tpu.memory_space<vmem>> -> memref<1x128xi32, #tpu.memory_space<vmem>>
    %dma_wait3A_174 = tpu.memref_squeeze %dma_wait3A_173 : memref<1x128xi32, #tpu.memory_space<vmem>> -> memref<128xi32, #tpu.memory_space<vmem>>
    %dma_wait3A_175 = tpu.memref_slice %arg2[%add3A_61] : memref<16384xi32, #tpu.memory_space<hbm>> -> memref<128xi32, #tpu.memory_space<hbm>>
    %dma_wait3A_176 = arith.constant 0 : i32
    %dma_wait3A_177 = tpu.memref_slice %arg9[%dma_wait3A_171, %dma_wait3A_176] : memref<4x128xi32, #tpu.memory_space<vmem>> -> memref<1x128xi32, #tpu.memory_space<vmem>>
    %dma_wait3A_178 = tpu.memref_squeeze %dma_wait3A_177 : memref<1x128xi32, #tpu.memory_space<vmem>> -> memref<128xi32, #tpu.memory_space<vmem>>
    %dma_wait3A_179 = tpu.memref_slice %arg2[%add3A_61] : memref<16384xi32, #tpu.memory_space<hbm>> -> memref<128xi32, #tpu.memory_space<hbm>>
    tpu.wait_dma2 semaphore(%arg17 : memref<!tpu.dma_semaphore, #tpu.memory_space<semaphore_mem>>) src(%dma_wait3A_179 : memref<128xi32, #tpu.memory_space<hbm>>) dst(%dma_wait3A_178 : memref<128xi32, #tpu.memory_space<vmem>>)
    %dma_wait3A_180 = arith.constant 2 : i32
    %dma_wait3A_181 = arith.constant 0 : i32
    %dma_wait3A_182 = tpu.memref_slice %arg10[%dma_wait3A_180, %dma_wait3A_181] : memref<4x128xi32, #tpu.memory_space<vmem>> -> memref<1x128xi32, #tpu.memory_space<vmem>>
    %dma_wait3A_183 = tpu.memref_squeeze %dma_wait3A_182 : memref<1x128xi32, #tpu.memory_space<vmem>> -> memref<128xi32, #tpu.memory_space<vmem>>
    %dma_wait3A_184 = tpu.memref_slice %arg3[%add3A_61] : memref<16384xi32, #tpu.memory_space<hbm>> -> memref<128xi32, #tpu.memory_space<hbm>>
    %dma_wait3A_185 = arith.constant 0 : i32
    %dma_wait3A_186 = tpu.memref_slice %arg10[%dma_wait3A_180, %dma_wait3A_185] : memref<4x128xi32, #tpu.memory_space<vmem>> -> memref<1x128xi32, #tpu.memory_space<vmem>>
    %dma_wait3A_187 = tpu.memref_squeeze %dma_wait3A_186 : memref<1x128xi32, #tpu.memory_space<vmem>> -> memref<128xi32, #tpu.memory_space<vmem>>
    %dma_wait3A_188 = tpu.memref_slice %arg3[%add3A_61] : memref<16384xi32, #tpu.memory_space<hbm>> -> memref<128xi32, #tpu.memory_space<hbm>>
    tpu.wait_dma2 semaphore(%arg17 : memref<!tpu.dma_semaphore, #tpu.memory_space<semaphore_mem>>) src(%dma_wait3A_188 : memref<128xi32, #tpu.memory_space<hbm>>) dst(%dma_wait3A_187 : memref<128xi32, #tpu.memory_space<vmem>>)
    %dma_wait3A_189 = arith.constant 2 : i32
    %dma_wait3A_190 = arith.constant 0 : i32
    %dma_wait3A_191 = tpu.memref_slice %arg11[%dma_wait3A_189, %dma_wait3A_190] : memref<4x128xi32, #tpu.memory_space<vmem>> -> memref<1x128xi32, #tpu.memory_space<vmem>>
    %dma_wait3A_192 = tpu.memref_squeeze %dma_wait3A_191 : memref<1x128xi32, #tpu.memory_space<vmem>> -> memref<128xi32, #tpu.memory_space<vmem>>
    %dma_wait3A_193 = tpu.memref_slice %arg4[%add3A_61] : memref<16384xi32, #tpu.memory_space<hbm>> -> memref<128xi32, #tpu.memory_space<hbm>>
    %dma_wait3A_194 = arith.constant 0 : i32
    %dma_wait3A_195 = tpu.memref_slice %arg11[%dma_wait3A_189, %dma_wait3A_194] : memref<4x128xi32, #tpu.memory_space<vmem>> -> memref<1x128xi32, #tpu.memory_space<vmem>>
    %dma_wait3A_196 = tpu.memref_squeeze %dma_wait3A_195 : memref<1x128xi32, #tpu.memory_space<vmem>> -> memref<128xi32, #tpu.memory_space<vmem>>
    %dma_wait3A_197 = tpu.memref_slice %arg4[%add3A_61] : memref<16384xi32, #tpu.memory_space<hbm>> -> memref<128xi32, #tpu.memory_space<hbm>>
    tpu.wait_dma2 semaphore(%arg17 : memref<!tpu.dma_semaphore, #tpu.memory_space<semaphore_mem>>) src(%dma_wait3A_197 : memref<128xi32, #tpu.memory_space<hbm>>) dst(%dma_wait3A_196 : memref<128xi32, #tpu.memory_space<vmem>>)
    %dma_wait3A_198 = arith.constant 3 : i32
    %dma_wait3A_199 = arith.constant 0 : i32
    %dma_wait3A_200 = tpu.memref_slice %arg9[%dma_wait3A_198, %dma_wait3A_199] : memref<4x128xi32, #tpu.memory_space<vmem>> -> memref<1x128xi32, #tpu.memory_space<vmem>>
    %dma_wait3A_201 = tpu.memref_squeeze %dma_wait3A_200 : memref<1x128xi32, #tpu.memory_space<vmem>> -> memref<128xi32, #tpu.memory_space<vmem>>
    %dma_wait3A_202 = tpu.memref_slice %arg2[%add3A_90] : memref<16384xi32, #tpu.memory_space<hbm>> -> memref<128xi32, #tpu.memory_space<hbm>>
    %dma_wait3A_203 = arith.constant 0 : i32
    %dma_wait3A_204 = tpu.memref_slice %arg9[%dma_wait3A_198, %dma_wait3A_203] : memref<4x128xi32, #tpu.memory_space<vmem>> -> memref<1x128xi32, #tpu.memory_space<vmem>>
    %dma_wait3A_205 = tpu.memref_squeeze %dma_wait3A_204 : memref<1x128xi32, #tpu.memory_space<vmem>> -> memref<128xi32, #tpu.memory_space<vmem>>
    %dma_wait3A_206 = tpu.memref_slice %arg2[%add3A_90] : memref<16384xi32, #tpu.memory_space<hbm>> -> memref<128xi32, #tpu.memory_space<hbm>>
    tpu.wait_dma2 semaphore(%arg17 : memref<!tpu.dma_semaphore, #tpu.memory_space<semaphore_mem>>) src(%dma_wait3A_206 : memref<128xi32, #tpu.memory_space<hbm>>) dst(%dma_wait3A_205 : memref<128xi32, #tpu.memory_space<vmem>>)
    %dma_wait3A_207 = arith.constant 3 : i32
    %dma_wait3A_208 = arith.constant 0 : i32
    %dma_wait3A_209 = tpu.memref_slice %arg10[%dma_wait3A_207, %dma_wait3A_208] : memref<4x128xi32, #tpu.memory_space<vmem>> -> memref<1x128xi32, #tpu.memory_space<vmem>>
    %dma_wait3A_210 = tpu.memref_squeeze %dma_wait3A_209 : memref<1x128xi32, #tpu.memory_space<vmem>> -> memref<128xi32, #tpu.memory_space<vmem>>
    %dma_wait3A_211 = tpu.memref_slice %arg3[%add3A_90] : memref<16384xi32, #tpu.memory_space<hbm>> -> memref<128xi32, #tpu.memory_space<hbm>>
    %dma_wait3A_212 = arith.constant 0 : i32
    %dma_wait3A_213 = tpu.memref_slice %arg10[%dma_wait3A_207, %dma_wait3A_212] : memref<4x128xi32, #tpu.memory_space<vmem>> -> memref<1x128xi32, #tpu.memory_space<vmem>>
    %dma_wait3A_214 = tpu.memref_squeeze %dma_wait3A_213 : memref<1x128xi32, #tpu.memory_space<vmem>> -> memref<128xi32, #tpu.memory_space<vmem>>
    %dma_wait3A_215 = tpu.memref_slice %arg3[%add3A_90] : memref<16384xi32, #tpu.memory_space<hbm>> -> memref<128xi32, #tpu.memory_space<hbm>>
    tpu.wait_dma2 semaphore(%arg17 : memref<!tpu.dma_semaphore, #tpu.memory_space<semaphore_mem>>) src(%dma_wait3A_215 : memref<128xi32, #tpu.memory_space<hbm>>) dst(%dma_wait3A_214 : memref<128xi32, #tpu.memory_space<vmem>>)
    %dma_wait3A_216 = arith.constant 3 : i32
    %dma_wait3A_217 = arith.constant 0 : i32
    %dma_wait3A_218 = tpu.memref_slice %arg11[%dma_wait3A_216, %dma_wait3A_217] : memref<4x128xi32, #tpu.memory_space<vmem>> -> memref<1x128xi32, #tpu.memory_space<vmem>>
    %dma_wait3A_219 = tpu.memref_squeeze %dma_wait3A_218 : memref<1x128xi32, #tpu.memory_space<vmem>> -> memref<128xi32, #tpu.memory_space<vmem>>
    %dma_wait3A_220 = tpu.memref_slice %arg4[%add3A_90] : memref<16384xi32, #tpu.memory_space<hbm>> -> memref<128xi32, #tpu.memory_space<hbm>>
    %dma_wait3A_221 = arith.constant 0 : i32
    %dma_wait3A_222 = tpu.memref_slice %arg11[%dma_wait3A_216, %dma_wait3A_221] : memref<4x128xi32, #tpu.memory_space<vmem>> -> memref<1x128xi32, #tpu.memory_space<vmem>>
    %dma_wait3A_223 = tpu.memref_squeeze %dma_wait3A_222 : memref<1x128xi32, #tpu.memory_space<vmem>> -> memref<128xi32, #tpu.memory_space<vmem>>
    %dma_wait3A_224 = tpu.memref_slice %arg4[%add3A_90] : memref<16384xi32, #tpu.memory_space<hbm>> -> memref<128xi32, #tpu.memory_space<hbm>>
    tpu.wait_dma2 semaphore(%arg17 : memref<!tpu.dma_semaphore, #tpu.memory_space<semaphore_mem>>) src(%dma_wait3A_224 : memref<128xi32, #tpu.memory_space<hbm>>) dst(%dma_wait3A_223 : memref<128xi32, #tpu.memory_space<vmem>>)
    %iota3A = tpu.iota {dimensions = array<i32: 0>} : vector<16xi32>
    %broadcast_in_dim3A = arith.constant 0.000000e+00 : f32
    %broadcast_in_dim3A_225 = vector.broadcast %broadcast_in_dim3A : f32 to vector<16xf32>
    %scan3A = arith.constant 0 : i32
    %scan3A_226 = arith.constant 4 : i32
    %scan3A_227 = arith.addi %scan3A, %scan3A_226 : i32
    %scan3A_228 = arith.constant 1 : i32
    %scan3A_229 = scf.for %scan3A_232 = %scan3A to %scan3A_227 step %scan3A_228 iter_args(%scan3A_233 = %broadcast_in_dim3A_225) -> (vector<16xf32>)  : i32 {
      %dma_start3A_234 = arith.constant 0 : i32
      %dma_start3A_235 = tpu.memref_slice %arg9[%scan3A_232, %dma_start3A_234] : memref<4x128xi32, #tpu.memory_space<vmem>> -> memref<1x128xi32, #tpu.memory_space<vmem>>
      %dma_start3A_236 = tpu.memref_squeeze %dma_start3A_235 : memref<1x128xi32, #tpu.memory_space<vmem>> -> memref<128xi32, #tpu.memory_space<vmem>>
      %dma_start3A_237 = arith.constant 0 : i32
      %dma_start3A_238 = arith.constant 0 : i32
      %dma_start3A_239 = tpu.memref_slice %arg5[%dma_start3A_237, %dma_start3A_238] : memref<1000000x32xf32, #tpu.memory_space<hbm>> -> memref<1000000x32xf32, #tpu.memory_space<hbm>>
      tpu.enqueue_indirect_dma source(%dma_start3A_239 : memref<1000000x32xf32, #tpu.memory_space<hbm>>) target(%arg12 : memref<128x32xf32, #tpu.memory_space<vmem>>) offsets(%dma_start3A_236 : memref<128xi32, #tpu.memory_space<vmem>>) semaphore(%arg17 : memref<!tpu.dma_semaphore, #tpu.memory_space<semaphore_mem>>)
      %dma_start3A_240 = arith.constant 0 : i32
      %dma_start3A_241 = tpu.memref_slice %arg10[%scan3A_232, %dma_start3A_240] : memref<4x128xi32, #tpu.memory_space<vmem>> -> memref<1x128xi32, #tpu.memory_space<vmem>>
      %dma_start3A_242 = tpu.memref_squeeze %dma_start3A_241 : memref<1x128xi32, #tpu.memory_space<vmem>> -> memref<128xi32, #tpu.memory_space<vmem>>
      %dma_start3A_243 = arith.constant 0 : i32
      %dma_start3A_244 = arith.constant 0 : i32
      %dma_start3A_245 = tpu.memref_slice %arg6[%dma_start3A_243, %dma_start3A_244] : memref<1000000x32xf32, #tpu.memory_space<hbm>> -> memref<1000000x32xf32, #tpu.memory_space<hbm>>
      tpu.enqueue_indirect_dma source(%dma_start3A_245 : memref<1000000x32xf32, #tpu.memory_space<hbm>>) target(%arg13 : memref<128x32xf32, #tpu.memory_space<vmem>>) offsets(%dma_start3A_242 : memref<128xi32, #tpu.memory_space<vmem>>) semaphore(%arg17 : memref<!tpu.dma_semaphore, #tpu.memory_space<semaphore_mem>>)
      %dma_start3A_246 = arith.constant 0 : i32
      %dma_start3A_247 = tpu.memref_slice %arg11[%scan3A_232, %dma_start3A_246] : memref<4x128xi32, #tpu.memory_space<vmem>> -> memref<1x128xi32, #tpu.memory_space<vmem>>
      %dma_start3A_248 = tpu.memref_squeeze %dma_start3A_247 : memref<1x128xi32, #tpu.memory_space<vmem>> -> memref<128xi32, #tpu.memory_space<vmem>>
      %dma_start3A_249 = arith.constant 0 : i32
      %dma_start3A_250 = arith.constant 0 : i32
      %dma_start3A_251 = tpu.memref_slice %arg6[%dma_start3A_249, %dma_start3A_250] : memref<1000000x32xf32, #tpu.memory_space<hbm>> -> memref<1000000x32xf32, #tpu.memory_space<hbm>>
      tpu.enqueue_indirect_dma source(%dma_start3A_251 : memref<1000000x32xf32, #tpu.memory_space<hbm>>) target(%arg14 : memref<128x32xf32, #tpu.memory_space<vmem>>) offsets(%dma_start3A_248 : memref<128xi32, #tpu.memory_space<vmem>>) semaphore(%arg17 : memref<!tpu.dma_semaphore, #tpu.memory_space<semaphore_mem>>)
      %dma_wait3A_252 = arith.constant 0 : i32
      %dma_wait3A_253 = tpu.memref_slice %arg9[%scan3A_232, %dma_wait3A_252] : memref<4x128xi32, #tpu.memory_space<vmem>> -> memref<1x128xi32, #tpu.memory_space<vmem>>
      %dma_wait3A_254 = tpu.memref_squeeze %dma_wait3A_253 : memref<1x128xi32, #tpu.memory_space<vmem>> -> memref<128xi32, #tpu.memory_space<vmem>>
      %dma_wait3A_255 = arith.constant 0 : i32
      %dma_wait3A_256 = arith.constant 0 : i32
      %dma_wait3A_257 = tpu.memref_slice %arg5[%dma_wait3A_255, %dma_wait3A_256] : memref<1000000x32xf32, #tpu.memory_space<hbm>> -> memref<1000000x32xf32, #tpu.memory_space<hbm>>
      tpu.wait_indirect_dma semaphore(%arg17 : memref<!tpu.dma_semaphore, #tpu.memory_space<semaphore_mem>>) src(%dma_wait3A_257 : memref<1000000x32xf32, #tpu.memory_space<hbm>>) dst(%arg12 : memref<128x32xf32, #tpu.memory_space<vmem>>)
      %dma_wait3A_258 = arith.constant 0 : i32
      %dma_wait3A_259 = tpu.memref_slice %arg10[%scan3A_232, %dma_wait3A_258] : memref<4x128xi32, #tpu.memory_space<vmem>> -> memref<1x128xi32, #tpu.memory_space<vmem>>
      %dma_wait3A_260 = tpu.memref_squeeze %dma_wait3A_259 : memref<1x128xi32, #tpu.memory_space<vmem>> -> memref<128xi32, #tpu.memory_space<vmem>>
      %dma_wait3A_261 = arith.constant 0 : i32
      %dma_wait3A_262 = arith.constant 0 : i32
      %dma_wait3A_263 = tpu.memref_slice %arg6[%dma_wait3A_261, %dma_wait3A_262] : memref<1000000x32xf32, #tpu.memory_space<hbm>> -> memref<1000000x32xf32, #tpu.memory_space<hbm>>
      tpu.wait_indirect_dma semaphore(%arg17 : memref<!tpu.dma_semaphore, #tpu.memory_space<semaphore_mem>>) src(%dma_wait3A_263 : memref<1000000x32xf32, #tpu.memory_space<hbm>>) dst(%arg13 : memref<128x32xf32, #tpu.memory_space<vmem>>)
      %dma_wait3A_264 = arith.constant 0 : i32
      %dma_wait3A_265 = tpu.memref_slice %arg11[%scan3A_232, %dma_wait3A_264] : memref<4x128xi32, #tpu.memory_space<vmem>> -> memref<1x128xi32, #tpu.memory_space<vmem>>
      %dma_wait3A_266 = tpu.memref_squeeze %dma_wait3A_265 : memref<1x128xi32, #tpu.memory_space<vmem>> -> memref<128xi32, #tpu.memory_space<vmem>>
      %dma_wait3A_267 = arith.constant 0 : i32
      %dma_wait3A_268 = arith.constant 0 : i32
      %dma_wait3A_269 = tpu.memref_slice %arg6[%dma_wait3A_267, %dma_wait3A_268] : memref<1000000x32xf32, #tpu.memory_space<hbm>> -> memref<1000000x32xf32, #tpu.memory_space<hbm>>
      tpu.wait_indirect_dma semaphore(%arg17 : memref<!tpu.dma_semaphore, #tpu.memory_space<semaphore_mem>>) src(%dma_wait3A_269 : memref<1000000x32xf32, #tpu.memory_space<hbm>>) dst(%arg14 : memref<128x32xf32, #tpu.memory_space<vmem>>)
      %scan3A_270 = arith.constant 0 : i32
      %scan3A_271 = arith.constant 8 : i32
      %scan3A_272 = arith.addi %scan3A_270, %scan3A_271 : i32
      %scan3A_273 = arith.constant 1 : i32
      %scan3A_274 = scf.for %scan3A_276 = %scan3A_270 to %scan3A_272 step %scan3A_273 iter_args(%scan3A_277 = %scan3A_233) -> (vector<16xf32>)  : i32 {
        %mul3A_278 = arith.constant 16 : i32
        %mul3A_279 = arith.muli %scan3A_276, %mul3A_278 : i32
        %add3A_280 = vector.broadcast %mul3A_279 : i32 to vector<16xi32>
        %add3A_281 = arith.addi %iota3A, %add3A_280 : vector<16xi32>
        %broadcast_in_dim3A_282 = arith.constant 0.000000e+00 : f32
        %broadcast_in_dim3A_283 = vector.broadcast %broadcast_in_dim3A_282 : f32 to vector<16xf32>
        %broadcast_in_dim3A_284 = arith.constant 0.000000e+00 : f32
        %broadcast_in_dim3A_285 = vector.broadcast %broadcast_in_dim3A_284 : f32 to vector<16xf32>
        %broadcast_in_dim3A_286 = arith.constant 0 : i32
        %broadcast_in_dim3A_287 = vector.broadcast %broadcast_in_dim3A_286 : i32 to vector<16xi32>
        %gather3A = tpu.vector_load_idx %arg12[%add3A_281, %broadcast_in_dim3A_287] : memref<128x32xf32, #tpu.memory_space<vmem>>[vector<16xi32>, vector<16xi32>], vector<16xf32>,
        %gather3A_288 = tpu.vector_load_idx %arg13[%add3A_281, %broadcast_in_dim3A_287] : memref<128x32xf32, #tpu.memory_space<vmem>>[vector<16xi32>, vector<16xi32>], vector<16xf32>,
        %gather3A_289 = tpu.vector_load_idx %arg14[%add3A_281, %broadcast_in_dim3A_287] : memref<128x32xf32, #tpu.memory_space<vmem>>[vector<16xi32>, vector<16xi32>], vector<16xf32>,
        %mul3A_290 = arith.mulf %gather3A, %gather3A_288 : vector<16xf32>
        %add3A_291 = arith.addf %broadcast_in_dim3A_283, %mul3A_290 : vector<16xf32>
        %mul3A_292 = arith.mulf %gather3A, %gather3A_289 : vector<16xf32>
        %add3A_293 = arith.addf %broadcast_in_dim3A_285, %mul3A_292 : vector<16xf32>
        %mul3A_294 = arith.mulf %gather3A, %gather3A : vector<16xf32>
        %mul3A_295 = arith.mulf %gather3A_288, %gather3A_288 : vector<16xf32>
        %add3A_296 = arith.addf %mul3A_294, %mul3A_295 : vector<16xf32>
        %mul3A_297 = arith.mulf %gather3A_289, %gather3A_289 : vector<16xf32>
        %add3A_298 = arith.addf %add3A_296, %mul3A_297 : vector<16xf32>
        %add3A_299 = arith.addf %scan3A_277, %add3A_298 : vector<16xf32>
        %broadcast_in_dim3A_300 = arith.constant 1 : i32
        %broadcast_in_dim3A_301 = vector.broadcast %broadcast_in_dim3A_300 : i32 to vector<16xi32>
        %gather3A_302 = tpu.vector_load_idx %arg12[%add3A_281, %broadcast_in_dim3A_301] : memref<128x32xf32, #tpu.memory_space<vmem>>[vector<16xi32>, vector<16xi32>], vector<16xf32>,
        %gather3A_303 = tpu.vector_load_idx %arg13[%add3A_281, %broadcast_in_dim3A_301] : memref<128x32xf32, #tpu.memory_space<vmem>>[vector<16xi32>, vector<16xi32>], vector<16xf32>,
        %gather3A_304 = tpu.vector_load_idx %arg14[%add3A_281, %broadcast_in_dim3A_301] : memref<128x32xf32, #tpu.memory_space<vmem>>[vector<16xi32>, vector<16xi32>], vector<16xf32>,
        %mul3A_305 = arith.mulf %gather3A_302, %gather3A_303 : vector<16xf32>
        %add3A_306 = arith.addf %add3A_291, %mul3A_305 : vector<16xf32>
        %mul3A_307 = arith.mulf %gather3A_302, %gather3A_304 : vector<16xf32>
        %add3A_308 = arith.addf %add3A_293, %mul3A_307 : vector<16xf32>
        %mul3A_309 = arith.mulf %gather3A_302, %gather3A_302 : vector<16xf32>
        %mul3A_310 = arith.mulf %gather3A_303, %gather3A_303 : vector<16xf32>
        %add3A_311 = arith.addf %mul3A_309, %mul3A_310 : vector<16xf32>
        %mul3A_312 = arith.mulf %gather3A_304, %gather3A_304 : vector<16xf32>
        %add3A_313 = arith.addf %add3A_311, %mul3A_312 : vector<16xf32>
        %add3A_314 = arith.addf %add3A_299, %add3A_313 : vector<16xf32>
        %broadcast_in_dim3A_315 = arith.constant 2 : i32
        %broadcast_in_dim3A_316 = vector.broadcast %broadcast_in_dim3A_315 : i32 to vector<16xi32>
        %gather3A_317 = tpu.vector_load_idx %arg12[%add3A_281, %broadcast_in_dim3A_316] : memref<128x32xf32, #tpu.memory_space<vmem>>[vector<16xi32>, vector<16xi32>], vector<16xf32>,
        %gather3A_318 = tpu.vector_load_idx %arg13[%add3A_281, %broadcast_in_dim3A_316] : memref<128x32xf32, #tpu.memory_space<vmem>>[vector<16xi32>, vector<16xi32>], vector<16xf32>,
        %gather3A_319 = tpu.vector_load_idx %arg14[%add3A_281, %broadcast_in_dim3A_316] : memref<128x32xf32, #tpu.memory_space<vmem>>[vector<16xi32>, vector<16xi32>], vector<16xf32>,
        %mul3A_320 = arith.mulf %gather3A_317, %gather3A_318 : vector<16xf32>
        %add3A_321 = arith.addf %add3A_306, %mul3A_320 : vector<16xf32>
        %mul3A_322 = arith.mulf %gather3A_317, %gather3A_319 : vector<16xf32>
        %add3A_323 = arith.addf %add3A_308, %mul3A_322 : vector<16xf32>
        %mul3A_324 = arith.mulf %gather3A_317, %gather3A_317 : vector<16xf32>
        %mul3A_325 = arith.mulf %gather3A_318, %gather3A_318 : vector<16xf32>
        %add3A_326 = arith.addf %mul3A_324, %mul3A_325 : vector<16xf32>
        %mul3A_327 = arith.mulf %gather3A_319, %gather3A_319 : vector<16xf32>
        %add3A_328 = arith.addf %add3A_326, %mul3A_327 : vector<16xf32>
        %add3A_329 = arith.addf %add3A_314, %add3A_328 : vector<16xf32>
        %broadcast_in_dim3A_330 = arith.constant 3 : i32
        %broadcast_in_dim3A_331 = vector.broadcast %broadcast_in_dim3A_330 : i32 to vector<16xi32>
        %gather3A_332 = tpu.vector_load_idx %arg12[%add3A_281, %broadcast_in_dim3A_331] : memref<128x32xf32, #tpu.memory_space<vmem>>[vector<16xi32>, vector<16xi32>], vector<16xf32>,
        %gather3A_333 = tpu.vector_load_idx %arg13[%add3A_281, %broadcast_in_dim3A_331] : memref<128x32xf32, #tpu.memory_space<vmem>>[vector<16xi32>, vector<16xi32>], vector<16xf32>,
        %gather3A_334 = tpu.vector_load_idx %arg14[%add3A_281, %broadcast_in_dim3A_331] : memref<128x32xf32, #tpu.memory_space<vmem>>[vector<16xi32>, vector<16xi32>], vector<16xf32>,
        %mul3A_335 = arith.mulf %gather3A_332, %gather3A_333 : vector<16xf32>
        %add3A_336 = arith.addf %add3A_321, %mul3A_335 : vector<16xf32>
        %mul3A_337 = arith.mulf %gather3A_332, %gather3A_334 : vector<16xf32>
        %add3A_338 = arith.addf %add3A_323, %mul3A_337 : vector<16xf32>
        %mul3A_339 = arith.mulf %gather3A_332, %gather3A_332 : vector<16xf32>
        %mul3A_340 = arith.mulf %gather3A_333, %gather3A_333 : vector<16xf32>
        %add3A_341 = arith.addf %mul3A_339, %mul3A_340 : vector<16xf32>
        %mul3A_342 = arith.mulf %gather3A_334, %gather3A_334 : vector<16xf32>
        %add3A_343 = arith.addf %add3A_341, %mul3A_342 : vector<16xf32>
        %add3A_344 = arith.addf %add3A_329, %add3A_343 : vector<16xf32>
        %broadcast_in_dim3A_345 = arith.constant 4 : i32
        %broadcast_in_dim3A_346 = vector.broadcast %broadcast_in_dim3A_345 : i32 to vector<16xi32>
        %gather3A_347 = tpu.vector_load_idx %arg12[%add3A_281, %broadcast_in_dim3A_346] : memref<128x32xf32, #tpu.memory_space<vmem>>[vector<16xi32>, vector<16xi32>], vector<16xf32>,
        %gather3A_348 = tpu.vector_load_idx %arg13[%add3A_281, %broadcast_in_dim3A_346] : memref<128x32xf32, #tpu.memory_space<vmem>>[vector<16xi32>, vector<16xi32>], vector<16xf32>,
        %gather3A_349 = tpu.vector_load_idx %arg14[%add3A_281, %broadcast_in_dim3A_346] : memref<128x32xf32, #tpu.memory_space<vmem>>[vector<16xi32>, vector<16xi32>], vector<16xf32>,
        %mul3A_350 = arith.mulf %gather3A_347, %gather3A_348 : vector<16xf32>
        %add3A_351 = arith.addf %add3A_336, %mul3A_350 : vector<16xf32>
        %mul3A_352 = arith.mulf %gather3A_347, %gather3A_349 : vector<16xf32>
        %add3A_353 = arith.addf %add3A_338, %mul3A_352 : vector<16xf32>
        %mul3A_354 = arith.mulf %gather3A_347, %gather3A_347 : vector<16xf32>
        %mul3A_355 = arith.mulf %gather3A_348, %gather3A_348 : vector<16xf32>
        %add3A_356 = arith.addf %mul3A_354, %mul3A_355 : vector<16xf32>
        %mul3A_357 = arith.mulf %gather3A_349, %gather3A_349 : vector<16xf32>
        %add3A_358 = arith.addf %add3A_356, %mul3A_357 : vector<16xf32>
        %add3A_359 = arith.addf %add3A_344, %add3A_358 : vector<16xf32>
        %broadcast_in_dim3A_360 = arith.constant 5 : i32
        %broadcast_in_dim3A_361 = vector.broadcast %broadcast_in_dim3A_360 : i32 to vector<16xi32>
        %gather3A_362 = tpu.vector_load_idx %arg12[%add3A_281, %broadcast_in_dim3A_361] : memref<128x32xf32, #tpu.memory_space<vmem>>[vector<16xi32>, vector<16xi32>], vector<16xf32>,
        %gather3A_363 = tpu.vector_load_idx %arg13[%add3A_281, %broadcast_in_dim3A_361] : memref<128x32xf32, #tpu.memory_space<vmem>>[vector<16xi32>, vector<16xi32>], vector<16xf32>,
        %gather3A_364 = tpu.vector_load_idx %arg14[%add3A_281, %broadcast_in_dim3A_361] : memref<128x32xf32, #tpu.memory_space<vmem>>[vector<16xi32>, vector<16xi32>], vector<16xf32>,
        %mul3A_365 = arith.mulf %gather3A_362, %gather3A_363 : vector<16xf32>
        %add3A_366 = arith.addf %add3A_351, %mul3A_365 : vector<16xf32>
        %mul3A_367 = arith.mulf %gather3A_362, %gather3A_364 : vector<16xf32>
        %add3A_368 = arith.addf %add3A_353, %mul3A_367 : vector<16xf32>
        %mul3A_369 = arith.mulf %gather3A_362, %gather3A_362 : vector<16xf32>
        %mul3A_370 = arith.mulf %gather3A_363, %gather3A_363 : vector<16xf32>
        %add3A_371 = arith.addf %mul3A_369, %mul3A_370 : vector<16xf32>
        %mul3A_372 = arith.mulf %gather3A_364, %gather3A_364 : vector<16xf32>
        %add3A_373 = arith.addf %add3A_371, %mul3A_372 : vector<16xf32>
        %add3A_374 = arith.addf %add3A_359, %add3A_373 : vector<16xf32>
        %broadcast_in_dim3A_375 = arith.constant 6 : i32
        %broadcast_in_dim3A_376 = vector.broadcast %broadcast_in_dim3A_375 : i32 to vector<16xi32>
        %gather3A_377 = tpu.vector_load_idx %arg12[%add3A_281, %broadcast_in_dim3A_376] : memref<128x32xf32, #tpu.memory_space<vmem>>[vector<16xi32>, vector<16xi32>], vector<16xf32>,
        %gather3A_378 = tpu.vector_load_idx %arg13[%add3A_281, %broadcast_in_dim3A_376] : memref<128x32xf32, #tpu.memory_space<vmem>>[vector<16xi32>, vector<16xi32>], vector<16xf32>,
        %gather3A_379 = tpu.vector_load_idx %arg14[%add3A_281, %broadcast_in_dim3A_376] : memref<128x32xf32, #tpu.memory_space<vmem>>[vector<16xi32>, vector<16xi32>], vector<16xf32>,
        %mul3A_380 = arith.mulf %gather3A_377, %gather3A_378 : vector<16xf32>
        %add3A_381 = arith.addf %add3A_366, %mul3A_380 : vector<16xf32>
        %mul3A_382 = arith.mulf %gather3A_377, %gather3A_379 : vector<16xf32>
        %add3A_383 = arith.addf %add3A_368, %mul3A_382 : vector<16xf32>
        %mul3A_384 = arith.mulf %gather3A_377, %gather3A_377 : vector<16xf32>
        %mul3A_385 = arith.mulf %gather3A_378, %gather3A_378 : vector<16xf32>
        %add3A_386 = arith.addf %mul3A_384, %mul3A_385 : vector<16xf32>
        %mul3A_387 = arith.mulf %gather3A_379, %gather3A_379 : vector<16xf32>
        %add3A_388 = arith.addf %add3A_386, %mul3A_387 : vector<16xf32>
        %add3A_389 = arith.addf %add3A_374, %add3A_388 : vector<16xf32>
        %broadcast_in_dim3A_390 = arith.constant 7 : i32
        %broadcast_in_dim3A_391 = vector.broadcast %broadcast_in_dim3A_390 : i32 to vector<16xi32>
        %gather3A_392 = tpu.vector_load_idx %arg12[%add3A_281, %broadcast_in_dim3A_391] : memref<128x32xf32, #tpu.memory_space<vmem>>[vector<16xi32>, vector<16xi32>], vector<16xf32>,
        %gather3A_393 = tpu.vector_load_idx %arg13[%add3A_281, %broadcast_in_dim3A_391] : memref<128x32xf32, #tpu.memory_space<vmem>>[vector<16xi32>, vector<16xi32>], vector<16xf32>,
        %gather3A_394 = tpu.vector_load_idx %arg14[%add3A_281, %broadcast_in_dim3A_391] : memref<128x32xf32, #tpu.memory_space<vmem>>[vector<16xi32>, vector<16xi32>], vector<16xf32>,
        %mul3A_395 = arith.mulf %gather3A_392, %gather3A_393 : vector<16xf32>
        %add3A_396 = arith.addf %add3A_381, %mul3A_395 : vector<16xf32>
        %mul3A_397 = arith.mulf %gather3A_392, %gather3A_394 : vector<16xf32>
        %add3A_398 = arith.addf %add3A_383, %mul3A_397 : vector<16xf32>
        %mul3A_399 = arith.mulf %gather3A_392, %gather3A_392 : vector<16xf32>
        %mul3A_400 = arith.mulf %gather3A_393, %gather3A_393 : vector<16xf32>
        %add3A_401 = arith.addf %mul3A_399, %mul3A_400 : vector<16xf32>
        %mul3A_402 = arith.mulf %gather3A_394, %gather3A_394 : vector<16xf32>
        %add3A_403 = arith.addf %add3A_401, %mul3A_402 : vector<16xf32>
        %add3A_404 = arith.addf %add3A_389, %add3A_403 : vector<16xf32>
        %broadcast_in_dim3A_405 = arith.constant 8 : i32
        %broadcast_in_dim3A_406 = vector.broadcast %broadcast_in_dim3A_405 : i32 to vector<16xi32>
        %gather3A_407 = tpu.vector_load_idx %arg12[%add3A_281, %broadcast_in_dim3A_406] : memref<128x32xf32, #tpu.memory_space<vmem>>[vector<16xi32>, vector<16xi32>], vector<16xf32>,
        %gather3A_408 = tpu.vector_load_idx %arg13[%add3A_281, %broadcast_in_dim3A_406] : memref<128x32xf32, #tpu.memory_space<vmem>>[vector<16xi32>, vector<16xi32>], vector<16xf32>,
        %gather3A_409 = tpu.vector_load_idx %arg14[%add3A_281, %broadcast_in_dim3A_406] : memref<128x32xf32, #tpu.memory_space<vmem>>[vector<16xi32>, vector<16xi32>], vector<16xf32>,
        %mul3A_410 = arith.mulf %gather3A_407, %gather3A_408 : vector<16xf32>
        %add3A_411 = arith.addf %add3A_396, %mul3A_410 : vector<16xf32>
        %mul3A_412 = arith.mulf %gather3A_407, %gather3A_409 : vector<16xf32>
        %add3A_413 = arith.addf %add3A_398, %mul3A_412 : vector<16xf32>
        %mul3A_414 = arith.mulf %gather3A_407, %gather3A_407 : vector<16xf32>
        %mul3A_415 = arith.mulf %gather3A_408, %gather3A_408 : vector<16xf32>
        %add3A_416 = arith.addf %mul3A_414, %mul3A_415 : vector<16xf32>
        %mul3A_417 = arith.mulf %gather3A_409, %gather3A_409 : vector<16xf32>
        %add3A_418 = arith.addf %add3A_416, %mul3A_417 : vector<16xf32>
        %add3A_419 = arith.addf %add3A_404, %add3A_418 : vector<16xf32>
        %broadcast_in_dim3A_420 = arith.constant 9 : i32
        %broadcast_in_dim3A_421 = vector.broadcast %broadcast_in_dim3A_420 : i32 to vector<16xi32>
        %gather3A_422 = tpu.vector_load_idx %arg12[%add3A_281, %broadcast_in_dim3A_421] : memref<128x32xf32, #tpu.memory_space<vmem>>[vector<16xi32>, vector<16xi32>], vector<16xf32>,
        %gather3A_423 = tpu.vector_load_idx %arg13[%add3A_281, %broadcast_in_dim3A_421] : memref<128x32xf32, #tpu.memory_space<vmem>>[vector<16xi32>, vector<16xi32>], vector<16xf32>,
        %gather3A_424 = tpu.vector_load_idx %arg14[%add3A_281, %broadcast_in_dim3A_421] : memref<128x32xf32, #tpu.memory_space<vmem>>[vector<16xi32>, vector<16xi32>], vector<16xf32>,
        %mul3A_425 = arith.mulf %gather3A_422, %gather3A_423 : vector<16xf32>
        %add3A_426 = arith.addf %add3A_411, %mul3A_425 : vector<16xf32>
        %mul3A_427 = arith.mulf %gather3A_422, %gather3A_424 : vector<16xf32>
        %add3A_428 = arith.addf %add3A_413, %mul3A_427 : vector<16xf32>
        %mul3A_429 = arith.mulf %gather3A_422, %gather3A_422 : vector<16xf32>
        %mul3A_430 = arith.mulf %gather3A_423, %gather3A_423 : vector<16xf32>
        %add3A_431 = arith.addf %mul3A_429, %mul3A_430 : vector<16xf32>
        %mul3A_432 = arith.mulf %gather3A_424, %gather3A_424 : vector<16xf32>
        %add3A_433 = arith.addf %add3A_431, %mul3A_432 : vector<16xf32>
        %add3A_434 = arith.addf %add3A_419, %add3A_433 : vector<16xf32>
        %broadcast_in_dim3A_435 = arith.constant 10 : i32
        %broadcast_in_dim3A_436 = vector.broadcast %broadcast_in_dim3A_435 : i32 to vector<16xi32>
        %gather3A_437 = tpu.vector_load_idx %arg12[%add3A_281, %broadcast_in_dim3A_436] : memref<128x32xf32, #tpu.memory_space<vmem>>[vector<16xi32>, vector<16xi32>], vector<16xf32>,
        %gather3A_438 = tpu.vector_load_idx %arg13[%add3A_281, %broadcast_in_dim3A_436] : memref<128x32xf32, #tpu.memory_space<vmem>>[vector<16xi32>, vector<16xi32>], vector<16xf32>,
        %gather3A_439 = tpu.vector_load_idx %arg14[%add3A_281, %broadcast_in_dim3A_436] : memref<128x32xf32, #tpu.memory_space<vmem>>[vector<16xi32>, vector<16xi32>], vector<16xf32>,
        %mul3A_440 = arith.mulf %gather3A_437, %gather3A_438 : vector<16xf32>
        %add3A_441 = arith.addf %add3A_426, %mul3A_440 : vector<16xf32>
        %mul3A_442 = arith.mulf %gather3A_437, %gather3A_439 : vector<16xf32>
        %add3A_443 = arith.addf %add3A_428, %mul3A_442 : vector<16xf32>
        %mul3A_444 = arith.mulf %gather3A_437, %gather3A_437 : vector<16xf32>
        %mul3A_445 = arith.mulf %gather3A_438, %gather3A_438 : vector<16xf32>
        %add3A_446 = arith.addf %mul3A_444, %mul3A_445 : vector<16xf32>
        %mul3A_447 = arith.mulf %gather3A_439, %gather3A_439 : vector<16xf32>
        %add3A_448 = arith.addf %add3A_446, %mul3A_447 : vector<16xf32>
        %add3A_449 = arith.addf %add3A_434, %add3A_448 : vector<16xf32>
        %broadcast_in_dim3A_450 = arith.constant 11 : i32
        %broadcast_in_dim3A_451 = vector.broadcast %broadcast_in_dim3A_450 : i32 to vector<16xi32>
        %gather3A_452 = tpu.vector_load_idx %arg12[%add3A_281, %broadcast_in_dim3A_451] : memref<128x32xf32, #tpu.memory_space<vmem>>[vector<16xi32>, vector<16xi32>], vector<16xf32>,
        %gather3A_453 = tpu.vector_load_idx %arg13[%add3A_281, %broadcast_in_dim3A_451] : memref<128x32xf32, #tpu.memory_space<vmem>>[vector<16xi32>, vector<16xi32>], vector<16xf32>,
        %gather3A_454 = tpu.vector_load_idx %arg14[%add3A_281, %broadcast_in_dim3A_451] : memref<128x32xf32, #tpu.memory_space<vmem>>[vector<16xi32>, vector<16xi32>], vector<16xf32>,
        %mul3A_455 = arith.mulf %gather3A_452, %gather3A_453 : vector<16xf32>
        %add3A_456 = arith.addf %add3A_441, %mul3A_455 : vector<16xf32>
        %mul3A_457 = arith.mulf %gather3A_452, %gather3A_454 : vector<16xf32>
        %add3A_458 = arith.addf %add3A_443, %mul3A_457 : vector<16xf32>
        %mul3A_459 = arith.mulf %gather3A_452, %gather3A_452 : vector<16xf32>
        %mul3A_460 = arith.mulf %gather3A_453, %gather3A_453 : vector<16xf32>
        %add3A_461 = arith.addf %mul3A_459, %mul3A_460 : vector<16xf32>
        %mul3A_462 = arith.mulf %gather3A_454, %gather3A_454 : vector<16xf32>
        %add3A_463 = arith.addf %add3A_461, %mul3A_462 : vector<16xf32>
        %add3A_464 = arith.addf %add3A_449, %add3A_463 : vector<16xf32>
        %broadcast_in_dim3A_465 = arith.constant 12 : i32
        %broadcast_in_dim3A_466 = vector.broadcast %broadcast_in_dim3A_465 : i32 to vector<16xi32>
        %gather3A_467 = tpu.vector_load_idx %arg12[%add3A_281, %broadcast_in_dim3A_466] : memref<128x32xf32, #tpu.memory_space<vmem>>[vector<16xi32>, vector<16xi32>], vector<16xf32>,
        %gather3A_468 = tpu.vector_load_idx %arg13[%add3A_281, %broadcast_in_dim3A_466] : memref<128x32xf32, #tpu.memory_space<vmem>>[vector<16xi32>, vector<16xi32>], vector<16xf32>,
        %gather3A_469 = tpu.vector_load_idx %arg14[%add3A_281, %broadcast_in_dim3A_466] : memref<128x32xf32, #tpu.memory_space<vmem>>[vector<16xi32>, vector<16xi32>], vector<16xf32>,
        %mul3A_470 = arith.mulf %gather3A_467, %gather3A_468 : vector<16xf32>
        %add3A_471 = arith.addf %add3A_456, %mul3A_470 : vector<16xf32>
        %mul3A_472 = arith.mulf %gather3A_467, %gather3A_469 : vector<16xf32>
        %add3A_473 = arith.addf %add3A_458, %mul3A_472 : vector<16xf32>
        %mul3A_474 = arith.mulf %gather3A_467, %gather3A_467 : vector<16xf32>
        %mul3A_475 = arith.mulf %gather3A_468, %gather3A_468 : vector<16xf32>
        %add3A_476 = arith.addf %mul3A_474, %mul3A_475 : vector<16xf32>
        %mul3A_477 = arith.mulf %gather3A_469, %gather3A_469 : vector<16xf32>
        %add3A_478 = arith.addf %add3A_476, %mul3A_477 : vector<16xf32>
        %add3A_479 = arith.addf %add3A_464, %add3A_478 : vector<16xf32>
        %broadcast_in_dim3A_480 = arith.constant 13 : i32
        %broadcast_in_dim3A_481 = vector.broadcast %broadcast_in_dim3A_480 : i32 to vector<16xi32>
        %gather3A_482 = tpu.vector_load_idx %arg12[%add3A_281, %broadcast_in_dim3A_481] : memref<128x32xf32, #tpu.memory_space<vmem>>[vector<16xi32>, vector<16xi32>], vector<16xf32>,
        %gather3A_483 = tpu.vector_load_idx %arg13[%add3A_281, %broadcast_in_dim3A_481] : memref<128x32xf32, #tpu.memory_space<vmem>>[vector<16xi32>, vector<16xi32>], vector<16xf32>,
        %gather3A_484 = tpu.vector_load_idx %arg14[%add3A_281, %broadcast_in_dim3A_481] : memref<128x32xf32, #tpu.memory_space<vmem>>[vector<16xi32>, vector<16xi32>], vector<16xf32>,
        %mul3A_485 = arith.mulf %gather3A_482, %gather3A_483 : vector<16xf32>
        %add3A_486 = arith.addf %add3A_471, %mul3A_485 : vector<16xf32>
        %mul3A_487 = arith.mulf %gather3A_482, %gather3A_484 : vector<16xf32>
        %add3A_488 = arith.addf %add3A_473, %mul3A_487 : vector<16xf32>
        %mul3A_489 = arith.mulf %gather3A_482, %gather3A_482 : vector<16xf32>
        %mul3A_490 = arith.mulf %gather3A_483, %gather3A_483 : vector<16xf32>
        %add3A_491 = arith.addf %mul3A_489, %mul3A_490 : vector<16xf32>
        %mul3A_492 = arith.mulf %gather3A_484, %gather3A_484 : vector<16xf32>
        %add3A_493 = arith.addf %add3A_491, %mul3A_492 : vector<16xf32>
        %add3A_494 = arith.addf %add3A_479, %add3A_493 : vector<16xf32>
        %broadcast_in_dim3A_495 = arith.constant 14 : i32
        %broadcast_in_dim3A_496 = vector.broadcast %broadcast_in_dim3A_495 : i32 to vector<16xi32>
        %gather3A_497 = tpu.vector_load_idx %arg12[%add3A_281, %broadcast_in_dim3A_496] : memref<128x32xf32, #tpu.memory_space<vmem>>[vector<16xi32>, vector<16xi32>], vector<16xf32>,
        %gather3A_498 = tpu.vector_load_idx %arg13[%add3A_281, %broadcast_in_dim3A_496] : memref<128x32xf32, #tpu.memory_space<vmem>>[vector<16xi32>, vector<16xi32>], vector<16xf32>,
        %gather3A_499 = tpu.vector_load_idx %arg14[%add3A_281, %broadcast_in_dim3A_496] : memref<128x32xf32, #tpu.memory_space<vmem>>[vector<16xi32>, vector<16xi32>], vector<16xf32>,
        %mul3A_500 = arith.mulf %gather3A_497, %gather3A_498 : vector<16xf32>
        %add3A_501 = arith.addf %add3A_486, %mul3A_500 : vector<16xf32>
        %mul3A_502 = arith.mulf %gather3A_497, %gather3A_499 : vector<16xf32>
        %add3A_503 = arith.addf %add3A_488, %mul3A_502 : vector<16xf32>
        %mul3A_504 = arith.mulf %gather3A_497, %gather3A_497 : vector<16xf32>
        %mul3A_505 = arith.mulf %gather3A_498, %gather3A_498 : vector<16xf32>
        %add3A_506 = arith.addf %mul3A_504, %mul3A_505 : vector<16xf32>
        %mul3A_507 = arith.mulf %gather3A_499, %gather3A_499 : vector<16xf32>
        %add3A_508 = arith.addf %add3A_506, %mul3A_507 : vector<16xf32>
        %add3A_509 = arith.addf %add3A_494, %add3A_508 : vector<16xf32>
        %broadcast_in_dim3A_510 = arith.constant 15 : i32
        %broadcast_in_dim3A_511 = vector.broadcast %broadcast_in_dim3A_510 : i32 to vector<16xi32>
        %gather3A_512 = tpu.vector_load_idx %arg12[%add3A_281, %broadcast_in_dim3A_511] : memref<128x32xf32, #tpu.memory_space<vmem>>[vector<16xi32>, vector<16xi32>], vector<16xf32>,
        %gather3A_513 = tpu.vector_load_idx %arg13[%add3A_281, %broadcast_in_dim3A_511] : memref<128x32xf32, #tpu.memory_space<vmem>>[vector<16xi32>, vector<16xi32>], vector<16xf32>,
        %gather3A_514 = tpu.vector_load_idx %arg14[%add3A_281, %broadcast_in_dim3A_511] : memref<128x32xf32, #tpu.memory_space<vmem>>[vector<16xi32>, vector<16xi32>], vector<16xf32>,
        %mul3A_515 = arith.mulf %gather3A_512, %gather3A_513 : vector<16xf32>
        %add3A_516 = arith.addf %add3A_501, %mul3A_515 : vector<16xf32>
        %mul3A_517 = arith.mulf %gather3A_512, %gather3A_514 : vector<16xf32>
        %add3A_518 = arith.addf %add3A_503, %mul3A_517 : vector<16xf32>
        %mul3A_519 = arith.mulf %gather3A_512, %gather3A_512 : vector<16xf32>
        %mul3A_520 = arith.mulf %gather3A_513, %gather3A_513 : vector<16xf32>
        %add3A_521 = arith.addf %mul3A_519, %mul3A_520 : vector<16xf32>
        %mul3A_522 = arith.mulf %gather3A_514, %gather3A_514 : vector<16xf32>
        %add3A_523 = arith.addf %add3A_521, %mul3A_522 : vector<16xf32>
        %add3A_524 = arith.addf %add3A_509, %add3A_523 : vector<16xf32>
        %broadcast_in_dim3A_525 = arith.constant 16 : i32
        %broadcast_in_dim3A_526 = vector.broadcast %broadcast_in_dim3A_525 : i32 to vector<16xi32>
        %gather3A_527 = tpu.vector_load_idx %arg12[%add3A_281, %broadcast_in_dim3A_526] : memref<128x32xf32, #tpu.memory_space<vmem>>[vector<16xi32>, vector<16xi32>], vector<16xf32>,
        %gather3A_528 = tpu.vector_load_idx %arg13[%add3A_281, %broadcast_in_dim3A_526] : memref<128x32xf32, #tpu.memory_space<vmem>>[vector<16xi32>, vector<16xi32>], vector<16xf32>,
        %gather3A_529 = tpu.vector_load_idx %arg14[%add3A_281, %broadcast_in_dim3A_526] : memref<128x32xf32, #tpu.memory_space<vmem>>[vector<16xi32>, vector<16xi32>], vector<16xf32>,
        %mul3A_530 = arith.mulf %gather3A_527, %gather3A_528 : vector<16xf32>
        %add3A_531 = arith.addf %add3A_516, %mul3A_530 : vector<16xf32>
        %mul3A_532 = arith.mulf %gather3A_527, %gather3A_529 : vector<16xf32>
        %add3A_533 = arith.addf %add3A_518, %mul3A_532 : vector<16xf32>
        %mul3A_534 = arith.mulf %gather3A_527, %gather3A_527 : vector<16xf32>
        %mul3A_535 = arith.mulf %gather3A_528, %gather3A_528 : vector<16xf32>
        %add3A_536 = arith.addf %mul3A_534, %mul3A_535 : vector<16xf32>
        %mul3A_537 = arith.mulf %gather3A_529, %gather3A_529 : vector<16xf32>
        %add3A_538 = arith.addf %add3A_536, %mul3A_537 : vector<16xf32>
        %add3A_539 = arith.addf %add3A_524, %add3A_538 : vector<16xf32>
        %broadcast_in_dim3A_540 = arith.constant 17 : i32
        %broadcast_in_dim3A_541 = vector.broadcast %broadcast_in_dim3A_540 : i32 to vector<16xi32>
        %gather3A_542 = tpu.vector_load_idx %arg12[%add3A_281, %broadcast_in_dim3A_541] : memref<128x32xf32, #tpu.memory_space<vmem>>[vector<16xi32>, vector<16xi32>], vector<16xf32>,
        %gather3A_543 = tpu.vector_load_idx %arg13[%add3A_281, %broadcast_in_dim3A_541] : memref<128x32xf32, #tpu.memory_space<vmem>>[vector<16xi32>, vector<16xi32>], vector<16xf32>,
        %gather3A_544 = tpu.vector_load_idx %arg14[%add3A_281, %broadcast_in_dim3A_541] : memref<128x32xf32, #tpu.memory_space<vmem>>[vector<16xi32>, vector<16xi32>], vector<16xf32>,
        %mul3A_545 = arith.mulf %gather3A_542, %gather3A_543 : vector<16xf32>
        %add3A_546 = arith.addf %add3A_531, %mul3A_545 : vector<16xf32>
        %mul3A_547 = arith.mulf %gather3A_542, %gather3A_544 : vector<16xf32>
        %add3A_548 = arith.addf %add3A_533, %mul3A_547 : vector<16xf32>
        %mul3A_549 = arith.mulf %gather3A_542, %gather3A_542 : vector<16xf32>
        %mul3A_550 = arith.mulf %gather3A_543, %gather3A_543 : vector<16xf32>
        %add3A_551 = arith.addf %mul3A_549, %mul3A_550 : vector<16xf32>
        %mul3A_552 = arith.mulf %gather3A_544, %gather3A_544 : vector<16xf32>
        %add3A_553 = arith.addf %add3A_551, %mul3A_552 : vector<16xf32>
        %add3A_554 = arith.addf %add3A_539, %add3A_553 : vector<16xf32>
        %broadcast_in_dim3A_555 = arith.constant 18 : i32
        %broadcast_in_dim3A_556 = vector.broadcast %broadcast_in_dim3A_555 : i32 to vector<16xi32>
        %gather3A_557 = tpu.vector_load_idx %arg12[%add3A_281, %broadcast_in_dim3A_556] : memref<128x32xf32, #tpu.memory_space<vmem>>[vector<16xi32>, vector<16xi32>], vector<16xf32>,
        %gather3A_558 = tpu.vector_load_idx %arg13[%add3A_281, %broadcast_in_dim3A_556] : memref<128x32xf32, #tpu.memory_space<vmem>>[vector<16xi32>, vector<16xi32>], vector<16xf32>,
        %gather3A_559 = tpu.vector_load_idx %arg14[%add3A_281, %broadcast_in_dim3A_556] : memref<128x32xf32, #tpu.memory_space<vmem>>[vector<16xi32>, vector<16xi32>], vector<16xf32>,
        %mul3A_560 = arith.mulf %gather3A_557, %gather3A_558 : vector<16xf32>
        %add3A_561 = arith.addf %add3A_546, %mul3A_560 : vector<16xf32>
        %mul3A_562 = arith.mulf %gather3A_557, %gather3A_559 : vector<16xf32>
        %add3A_563 = arith.addf %add3A_548, %mul3A_562 : vector<16xf32>
        %mul3A_564 = arith.mulf %gather3A_557, %gather3A_557 : vector<16xf32>
        %mul3A_565 = arith.mulf %gather3A_558, %gather3A_558 : vector<16xf32>
        %add3A_566 = arith.addf %mul3A_564, %mul3A_565 : vector<16xf32>
        %mul3A_567 = arith.mulf %gather3A_559, %gather3A_559 : vector<16xf32>
        %add3A_568 = arith.addf %add3A_566, %mul3A_567 : vector<16xf32>
        %add3A_569 = arith.addf %add3A_554, %add3A_568 : vector<16xf32>
        %broadcast_in_dim3A_570 = arith.constant 19 : i32
        %broadcast_in_dim3A_571 = vector.broadcast %broadcast_in_dim3A_570 : i32 to vector<16xi32>
        %gather3A_572 = tpu.vector_load_idx %arg12[%add3A_281, %broadcast_in_dim3A_571] : memref<128x32xf32, #tpu.memory_space<vmem>>[vector<16xi32>, vector<16xi32>], vector<16xf32>,
        %gather3A_573 = tpu.vector_load_idx %arg13[%add3A_281, %broadcast_in_dim3A_571] : memref<128x32xf32, #tpu.memory_space<vmem>>[vector<16xi32>, vector<16xi32>], vector<16xf32>,
        %gather3A_574 = tpu.vector_load_idx %arg14[%add3A_281, %broadcast_in_dim3A_571] : memref<128x32xf32, #tpu.memory_space<vmem>>[vector<16xi32>, vector<16xi32>], vector<16xf32>,
        %mul3A_575 = arith.mulf %gather3A_572, %gather3A_573 : vector<16xf32>
        %add3A_576 = arith.addf %add3A_561, %mul3A_575 : vector<16xf32>
        %mul3A_577 = arith.mulf %gather3A_572, %gather3A_574 : vector<16xf32>
        %add3A_578 = arith.addf %add3A_563, %mul3A_577 : vector<16xf32>
        %mul3A_579 = arith.mulf %gather3A_572, %gather3A_572 : vector<16xf32>
        %mul3A_580 = arith.mulf %gather3A_573, %gather3A_573 : vector<16xf32>
        %add3A_581 = arith.addf %mul3A_579, %mul3A_580 : vector<16xf32>
        %mul3A_582 = arith.mulf %gather3A_574, %gather3A_574 : vector<16xf32>
        %add3A_583 = arith.addf %add3A_581, %mul3A_582 : vector<16xf32>
        %add3A_584 = arith.addf %add3A_569, %add3A_583 : vector<16xf32>
        %broadcast_in_dim3A_585 = arith.constant 20 : i32
        %broadcast_in_dim3A_586 = vector.broadcast %broadcast_in_dim3A_585 : i32 to vector<16xi32>
        %gather3A_587 = tpu.vector_load_idx %arg12[%add3A_281, %broadcast_in_dim3A_586] : memref<128x32xf32, #tpu.memory_space<vmem>>[vector<16xi32>, vector<16xi32>], vector<16xf32>,
        %gather3A_588 = tpu.vector_load_idx %arg13[%add3A_281, %broadcast_in_dim3A_586] : memref<128x32xf32, #tpu.memory_space<vmem>>[vector<16xi32>, vector<16xi32>], vector<16xf32>,
        %gather3A_589 = tpu.vector_load_idx %arg14[%add3A_281, %broadcast_in_dim3A_586] : memref<128x32xf32, #tpu.memory_space<vmem>>[vector<16xi32>, vector<16xi32>], vector<16xf32>,
        %mul3A_590 = arith.mulf %gather3A_587, %gather3A_588 : vector<16xf32>
        %add3A_591 = arith.addf %add3A_576, %mul3A_590 : vector<16xf32>
        %mul3A_592 = arith.mulf %gather3A_587, %gather3A_589 : vector<16xf32>
        %add3A_593 = arith.addf %add3A_578, %mul3A_592 : vector<16xf32>
        %mul3A_594 = arith.mulf %gather3A_587, %gather3A_587 : vector<16xf32>
        %mul3A_595 = arith.mulf %gather3A_588, %gather3A_588 : vector<16xf32>
        %add3A_596 = arith.addf %mul3A_594, %mul3A_595 : vector<16xf32>
        %mul3A_597 = arith.mulf %gather3A_589, %gather3A_589 : vector<16xf32>
        %add3A_598 = arith.addf %add3A_596, %mul3A_597 : vector<16xf32>
        %add3A_599 = arith.addf %add3A_584, %add3A_598 : vector<16xf32>
        %broadcast_in_dim3A_600 = arith.constant 21 : i32
        %broadcast_in_dim3A_601 = vector.broadcast %broadcast_in_dim3A_600 : i32 to vector<16xi32>
        %gather3A_602 = tpu.vector_load_idx %arg12[%add3A_281, %broadcast_in_dim3A_601] : memref<128x32xf32, #tpu.memory_space<vmem>>[vector<16xi32>, vector<16xi32>], vector<16xf32>,
        %gather3A_603 = tpu.vector_load_idx %arg13[%add3A_281, %broadcast_in_dim3A_601] : memref<128x32xf32, #tpu.memory_space<vmem>>[vector<16xi32>, vector<16xi32>], vector<16xf32>,
        %gather3A_604 = tpu.vector_load_idx %arg14[%add3A_281, %broadcast_in_dim3A_601] : memref<128x32xf32, #tpu.memory_space<vmem>>[vector<16xi32>, vector<16xi32>], vector<16xf32>,
        %mul3A_605 = arith.mulf %gather3A_602, %gather3A_603 : vector<16xf32>
        %add3A_606 = arith.addf %add3A_591, %mul3A_605 : vector<16xf32>
        %mul3A_607 = arith.mulf %gather3A_602, %gather3A_604 : vector<16xf32>
        %add3A_608 = arith.addf %add3A_593, %mul3A_607 : vector<16xf32>
        %mul3A_609 = arith.mulf %gather3A_602, %gather3A_602 : vector<16xf32>
        %mul3A_610 = arith.mulf %gather3A_603, %gather3A_603 : vector<16xf32>
        %add3A_611 = arith.addf %mul3A_609, %mul3A_610 : vector<16xf32>
        %mul3A_612 = arith.mulf %gather3A_604, %gather3A_604 : vector<16xf32>
        %add3A_613 = arith.addf %add3A_611, %mul3A_612 : vector<16xf32>
        %add3A_614 = arith.addf %add3A_599, %add3A_613 : vector<16xf32>
        %broadcast_in_dim3A_615 = arith.constant 22 : i32
        %broadcast_in_dim3A_616 = vector.broadcast %broadcast_in_dim3A_615 : i32 to vector<16xi32>
        %gather3A_617 = tpu.vector_load_idx %arg12[%add3A_281, %broadcast_in_dim3A_616] : memref<128x32xf32, #tpu.memory_space<vmem>>[vector<16xi32>, vector<16xi32>], vector<16xf32>,
        %gather3A_618 = tpu.vector_load_idx %arg13[%add3A_281, %broadcast_in_dim3A_616] : memref<128x32xf32, #tpu.memory_space<vmem>>[vector<16xi32>, vector<16xi32>], vector<16xf32>,
        %gather3A_619 = tpu.vector_load_idx %arg14[%add3A_281, %broadcast_in_dim3A_616] : memref<128x32xf32, #tpu.memory_space<vmem>>[vector<16xi32>, vector<16xi32>], vector<16xf32>,
        %mul3A_620 = arith.mulf %gather3A_617, %gather3A_618 : vector<16xf32>
        %add3A_621 = arith.addf %add3A_606, %mul3A_620 : vector<16xf32>
        %mul3A_622 = arith.mulf %gather3A_617, %gather3A_619 : vector<16xf32>
        %add3A_623 = arith.addf %add3A_608, %mul3A_622 : vector<16xf32>
        %mul3A_624 = arith.mulf %gather3A_617, %gather3A_617 : vector<16xf32>
        %mul3A_625 = arith.mulf %gather3A_618, %gather3A_618 : vector<16xf32>
        %add3A_626 = arith.addf %mul3A_624, %mul3A_625 : vector<16xf32>
        %mul3A_627 = arith.mulf %gather3A_619, %gather3A_619 : vector<16xf32>
        %add3A_628 = arith.addf %add3A_626, %mul3A_627 : vector<16xf32>
        %add3A_629 = arith.addf %add3A_614, %add3A_628 : vector<16xf32>
        %broadcast_in_dim3A_630 = arith.constant 23 : i32
        %broadcast_in_dim3A_631 = vector.broadcast %broadcast_in_dim3A_630 : i32 to vector<16xi32>
        %gather3A_632 = tpu.vector_load_idx %arg12[%add3A_281, %broadcast_in_dim3A_631] : memref<128x32xf32, #tpu.memory_space<vmem>>[vector<16xi32>, vector<16xi32>], vector<16xf32>,
        %gather3A_633 = tpu.vector_load_idx %arg13[%add3A_281, %broadcast_in_dim3A_631] : memref<128x32xf32, #tpu.memory_space<vmem>>[vector<16xi32>, vector<16xi32>], vector<16xf32>,
        %gather3A_634 = tpu.vector_load_idx %arg14[%add3A_281, %broadcast_in_dim3A_631] : memref<128x32xf32, #tpu.memory_space<vmem>>[vector<16xi32>, vector<16xi32>], vector<16xf32>,
        %mul3A_635 = arith.mulf %gather3A_632, %gather3A_633 : vector<16xf32>
        %add3A_636 = arith.addf %add3A_621, %mul3A_635 : vector<16xf32>
        %mul3A_637 = arith.mulf %gather3A_632, %gather3A_634 : vector<16xf32>
        %add3A_638 = arith.addf %add3A_623, %mul3A_637 : vector<16xf32>
        %mul3A_639 = arith.mulf %gather3A_632, %gather3A_632 : vector<16xf32>
        %mul3A_640 = arith.mulf %gather3A_633, %gather3A_633 : vector<16xf32>
        %add3A_641 = arith.addf %mul3A_639, %mul3A_640 : vector<16xf32>
        %mul3A_642 = arith.mulf %gather3A_634, %gather3A_634 : vector<16xf32>
        %add3A_643 = arith.addf %add3A_641, %mul3A_642 : vector<16xf32>
        %add3A_644 = arith.addf %add3A_629, %add3A_643 : vector<16xf32>
        %broadcast_in_dim3A_645 = arith.constant 24 : i32
        %broadcast_in_dim3A_646 = vector.broadcast %broadcast_in_dim3A_645 : i32 to vector<16xi32>
        %gather3A_647 = tpu.vector_load_idx %arg12[%add3A_281, %broadcast_in_dim3A_646] : memref<128x32xf32, #tpu.memory_space<vmem>>[vector<16xi32>, vector<16xi32>], vector<16xf32>,
        %gather3A_648 = tpu.vector_load_idx %arg13[%add3A_281, %broadcast_in_dim3A_646] : memref<128x32xf32, #tpu.memory_space<vmem>>[vector<16xi32>, vector<16xi32>], vector<16xf32>,
        %gather3A_649 = tpu.vector_load_idx %arg14[%add3A_281, %broadcast_in_dim3A_646] : memref<128x32xf32, #tpu.memory_space<vmem>>[vector<16xi32>, vector<16xi32>], vector<16xf32>,
        %mul3A_650 = arith.mulf %gather3A_647, %gather3A_648 : vector<16xf32>
        %add3A_651 = arith.addf %add3A_636, %mul3A_650 : vector<16xf32>
        %mul3A_652 = arith.mulf %gather3A_647, %gather3A_649 : vector<16xf32>
        %add3A_653 = arith.addf %add3A_638, %mul3A_652 : vector<16xf32>
        %mul3A_654 = arith.mulf %gather3A_647, %gather3A_647 : vector<16xf32>
        %mul3A_655 = arith.mulf %gather3A_648, %gather3A_648 : vector<16xf32>
        %add3A_656 = arith.addf %mul3A_654, %mul3A_655 : vector<16xf32>
        %mul3A_657 = arith.mulf %gather3A_649, %gather3A_649 : vector<16xf32>
        %add3A_658 = arith.addf %add3A_656, %mul3A_657 : vector<16xf32>
        %add3A_659 = arith.addf %add3A_644, %add3A_658 : vector<16xf32>
        %broadcast_in_dim3A_660 = arith.constant 25 : i32
        %broadcast_in_dim3A_661 = vector.broadcast %broadcast_in_dim3A_660 : i32 to vector<16xi32>
        %gather3A_662 = tpu.vector_load_idx %arg12[%add3A_281, %broadcast_in_dim3A_661] : memref<128x32xf32, #tpu.memory_space<vmem>>[vector<16xi32>, vector<16xi32>], vector<16xf32>,
        %gather3A_663 = tpu.vector_load_idx %arg13[%add3A_281, %broadcast_in_dim3A_661] : memref<128x32xf32, #tpu.memory_space<vmem>>[vector<16xi32>, vector<16xi32>], vector<16xf32>,
        %gather3A_664 = tpu.vector_load_idx %arg14[%add3A_281, %broadcast_in_dim3A_661] : memref<128x32xf32, #tpu.memory_space<vmem>>[vector<16xi32>, vector<16xi32>], vector<16xf32>,
        %mul3A_665 = arith.mulf %gather3A_662, %gather3A_663 : vector<16xf32>
        %add3A_666 = arith.addf %add3A_651, %mul3A_665 : vector<16xf32>
        %mul3A_667 = arith.mulf %gather3A_662, %gather3A_664 : vector<16xf32>
        %add3A_668 = arith.addf %add3A_653, %mul3A_667 : vector<16xf32>
        %mul3A_669 = arith.mulf %gather3A_662, %gather3A_662 : vector<16xf32>
        %mul3A_670 = arith.mulf %gather3A_663, %gather3A_663 : vector<16xf32>
        %add3A_671 = arith.addf %mul3A_669, %mul3A_670 : vector<16xf32>
        %mul3A_672 = arith.mulf %gather3A_664, %gather3A_664 : vector<16xf32>
        %add3A_673 = arith.addf %add3A_671, %mul3A_672 : vector<16xf32>
        %add3A_674 = arith.addf %add3A_659, %add3A_673 : vector<16xf32>
        %broadcast_in_dim3A_675 = arith.constant 26 : i32
        %broadcast_in_dim3A_676 = vector.broadcast %broadcast_in_dim3A_675 : i32 to vector<16xi32>
        %gather3A_677 = tpu.vector_load_idx %arg12[%add3A_281, %broadcast_in_dim3A_676] : memref<128x32xf32, #tpu.memory_space<vmem>>[vector<16xi32>, vector<16xi32>], vector<16xf32>,
        %gather3A_678 = tpu.vector_load_idx %arg13[%add3A_281, %broadcast_in_dim3A_676] : memref<128x32xf32, #tpu.memory_space<vmem>>[vector<16xi32>, vector<16xi32>], vector<16xf32>,
        %gather3A_679 = tpu.vector_load_idx %arg14[%add3A_281, %broadcast_in_dim3A_676] : memref<128x32xf32, #tpu.memory_space<vmem>>[vector<16xi32>, vector<16xi32>], vector<16xf32>,
        %mul3A_680 = arith.mulf %gather3A_677, %gather3A_678 : vector<16xf32>
        %add3A_681 = arith.addf %add3A_666, %mul3A_680 : vector<16xf32>
        %mul3A_682 = arith.mulf %gather3A_677, %gather3A_679 : vector<16xf32>
        %add3A_683 = arith.addf %add3A_668, %mul3A_682 : vector<16xf32>
        %mul3A_684 = arith.mulf %gather3A_677, %gather3A_677 : vector<16xf32>
        %mul3A_685 = arith.mulf %gather3A_678, %gather3A_678 : vector<16xf32>
        %add3A_686 = arith.addf %mul3A_684, %mul3A_685 : vector<16xf32>
        %mul3A_687 = arith.mulf %gather3A_679, %gather3A_679 : vector<16xf32>
        %add3A_688 = arith.addf %add3A_686, %mul3A_687 : vector<16xf32>
        %add3A_689 = arith.addf %add3A_674, %add3A_688 : vector<16xf32>
        %broadcast_in_dim3A_690 = arith.constant 27 : i32
        %broadcast_in_dim3A_691 = vector.broadcast %broadcast_in_dim3A_690 : i32 to vector<16xi32>
        %gather3A_692 = tpu.vector_load_idx %arg12[%add3A_281, %broadcast_in_dim3A_691] : memref<128x32xf32, #tpu.memory_space<vmem>>[vector<16xi32>, vector<16xi32>], vector<16xf32>,
        %gather3A_693 = tpu.vector_load_idx %arg13[%add3A_281, %broadcast_in_dim3A_691] : memref<128x32xf32, #tpu.memory_space<vmem>>[vector<16xi32>, vector<16xi32>], vector<16xf32>,
        %gather3A_694 = tpu.vector_load_idx %arg14[%add3A_281, %broadcast_in_dim3A_691] : memref<128x32xf32, #tpu.memory_space<vmem>>[vector<16xi32>, vector<16xi32>], vector<16xf32>,
        %mul3A_695 = arith.mulf %gather3A_692, %gather3A_693 : vector<16xf32>
        %add3A_696 = arith.addf %add3A_681, %mul3A_695 : vector<16xf32>
        %mul3A_697 = arith.mulf %gather3A_692, %gather3A_694 : vector<16xf32>
        %add3A_698 = arith.addf %add3A_683, %mul3A_697 : vector<16xf32>
        %mul3A_699 = arith.mulf %gather3A_692, %gather3A_692 : vector<16xf32>
        %mul3A_700 = arith.mulf %gather3A_693, %gather3A_693 : vector<16xf32>
        %add3A_701 = arith.addf %mul3A_699, %mul3A_700 : vector<16xf32>
        %mul3A_702 = arith.mulf %gather3A_694, %gather3A_694 : vector<16xf32>
        %add3A_703 = arith.addf %add3A_701, %mul3A_702 : vector<16xf32>
        %add3A_704 = arith.addf %add3A_689, %add3A_703 : vector<16xf32>
        %broadcast_in_dim3A_705 = arith.constant 28 : i32
        %broadcast_in_dim3A_706 = vector.broadcast %broadcast_in_dim3A_705 : i32 to vector<16xi32>
        %gather3A_707 = tpu.vector_load_idx %arg12[%add3A_281, %broadcast_in_dim3A_706] : memref<128x32xf32, #tpu.memory_space<vmem>>[vector<16xi32>, vector<16xi32>], vector<16xf32>,
        %gather3A_708 = tpu.vector_load_idx %arg13[%add3A_281, %broadcast_in_dim3A_706] : memref<128x32xf32, #tpu.memory_space<vmem>>[vector<16xi32>, vector<16xi32>], vector<16xf32>,
        %gather3A_709 = tpu.vector_load_idx %arg14[%add3A_281, %broadcast_in_dim3A_706] : memref<128x32xf32, #tpu.memory_space<vmem>>[vector<16xi32>, vector<16xi32>], vector<16xf32>,
        %mul3A_710 = arith.mulf %gather3A_707, %gather3A_708 : vector<16xf32>
        %add3A_711 = arith.addf %add3A_696, %mul3A_710 : vector<16xf32>
        %mul3A_712 = arith.mulf %gather3A_707, %gather3A_709 : vector<16xf32>
        %add3A_713 = arith.addf %add3A_698, %mul3A_712 : vector<16xf32>
        %mul3A_714 = arith.mulf %gather3A_707, %gather3A_707 : vector<16xf32>
        %mul3A_715 = arith.mulf %gather3A_708, %gather3A_708 : vector<16xf32>
        %add3A_716 = arith.addf %mul3A_714, %mul3A_715 : vector<16xf32>
        %mul3A_717 = arith.mulf %gather3A_709, %gather3A_709 : vector<16xf32>
        %add3A_718 = arith.addf %add3A_716, %mul3A_717 : vector<16xf32>
        %add3A_719 = arith.addf %add3A_704, %add3A_718 : vector<16xf32>
        %broadcast_in_dim3A_720 = arith.constant 29 : i32
        %broadcast_in_dim3A_721 = vector.broadcast %broadcast_in_dim3A_720 : i32 to vector<16xi32>
        %gather3A_722 = tpu.vector_load_idx %arg12[%add3A_281, %broadcast_in_dim3A_721] : memref<128x32xf32, #tpu.memory_space<vmem>>[vector<16xi32>, vector<16xi32>], vector<16xf32>,
        %gather3A_723 = tpu.vector_load_idx %arg13[%add3A_281, %broadcast_in_dim3A_721] : memref<128x32xf32, #tpu.memory_space<vmem>>[vector<16xi32>, vector<16xi32>], vector<16xf32>,
        %gather3A_724 = tpu.vector_load_idx %arg14[%add3A_281, %broadcast_in_dim3A_721] : memref<128x32xf32, #tpu.memory_space<vmem>>[vector<16xi32>, vector<16xi32>], vector<16xf32>,
        %mul3A_725 = arith.mulf %gather3A_722, %gather3A_723 : vector<16xf32>
        %add3A_726 = arith.addf %add3A_711, %mul3A_725 : vector<16xf32>
        %mul3A_727 = arith.mulf %gather3A_722, %gather3A_724 : vector<16xf32>
        %add3A_728 = arith.addf %add3A_713, %mul3A_727 : vector<16xf32>
        %mul3A_729 = arith.mulf %gather3A_722, %gather3A_722 : vector<16xf32>
        %mul3A_730 = arith.mulf %gather3A_723, %gather3A_723 : vector<16xf32>
        %add3A_731 = arith.addf %mul3A_729, %mul3A_730 : vector<16xf32>
        %mul3A_732 = arith.mulf %gather3A_724, %gather3A_724 : vector<16xf32>
        %add3A_733 = arith.addf %add3A_731, %mul3A_732 : vector<16xf32>
        %add3A_734 = arith.addf %add3A_719, %add3A_733 : vector<16xf32>
        %broadcast_in_dim3A_735 = arith.constant 30 : i32
        %broadcast_in_dim3A_736 = vector.broadcast %broadcast_in_dim3A_735 : i32 to vector<16xi32>
        %gather3A_737 = tpu.vector_load_idx %arg12[%add3A_281, %broadcast_in_dim3A_736] : memref<128x32xf32, #tpu.memory_space<vmem>>[vector<16xi32>, vector<16xi32>], vector<16xf32>,
        %gather3A_738 = tpu.vector_load_idx %arg13[%add3A_281, %broadcast_in_dim3A_736] : memref<128x32xf32, #tpu.memory_space<vmem>>[vector<16xi32>, vector<16xi32>], vector<16xf32>,
        %gather3A_739 = tpu.vector_load_idx %arg14[%add3A_281, %broadcast_in_dim3A_736] : memref<128x32xf32, #tpu.memory_space<vmem>>[vector<16xi32>, vector<16xi32>], vector<16xf32>,
        %mul3A_740 = arith.mulf %gather3A_737, %gather3A_738 : vector<16xf32>
        %add3A_741 = arith.addf %add3A_726, %mul3A_740 : vector<16xf32>
        %mul3A_742 = arith.mulf %gather3A_737, %gather3A_739 : vector<16xf32>
        %add3A_743 = arith.addf %add3A_728, %mul3A_742 : vector<16xf32>
        %mul3A_744 = arith.mulf %gather3A_737, %gather3A_737 : vector<16xf32>
        %mul3A_745 = arith.mulf %gather3A_738, %gather3A_738 : vector<16xf32>
        %add3A_746 = arith.addf %mul3A_744, %mul3A_745 : vector<16xf32>
        %mul3A_747 = arith.mulf %gather3A_739, %gather3A_739 : vector<16xf32>
        %add3A_748 = arith.addf %add3A_746, %mul3A_747 : vector<16xf32>
        %add3A_749 = arith.addf %add3A_734, %add3A_748 : vector<16xf32>
        %broadcast_in_dim3A_750 = arith.constant 31 : i32
        %broadcast_in_dim3A_751 = vector.broadcast %broadcast_in_dim3A_750 : i32 to vector<16xi32>
        %gather3A_752 = tpu.vector_load_idx %arg12[%add3A_281, %broadcast_in_dim3A_751] : memref<128x32xf32, #tpu.memory_space<vmem>>[vector<16xi32>, vector<16xi32>], vector<16xf32>,
        %gather3A_753 = tpu.vector_load_idx %arg13[%add3A_281, %broadcast_in_dim3A_751] : memref<128x32xf32, #tpu.memory_space<vmem>>[vector<16xi32>, vector<16xi32>], vector<16xf32>,
        %gather3A_754 = tpu.vector_load_idx %arg14[%add3A_281, %broadcast_in_dim3A_751] : memref<128x32xf32, #tpu.memory_space<vmem>>[vector<16xi32>, vector<16xi32>], vector<16xf32>,
        %mul3A_755 = arith.mulf %gather3A_752, %gather3A_753 : vector<16xf32>
        %add3A_756 = arith.addf %add3A_741, %mul3A_755 : vector<16xf32>
        %mul3A_757 = arith.mulf %gather3A_752, %gather3A_754 : vector<16xf32>
        %add3A_758 = arith.addf %add3A_743, %mul3A_757 : vector<16xf32>
        %mul3A_759 = arith.mulf %gather3A_752, %gather3A_752 : vector<16xf32>
        %mul3A_760 = arith.mulf %gather3A_753, %gather3A_753 : vector<16xf32>
        %add3A_761 = arith.addf %mul3A_759, %mul3A_760 : vector<16xf32>
        %mul3A_762 = arith.mulf %gather3A_754, %gather3A_754 : vector<16xf32>
        %add3A_763 = arith.addf %add3A_761, %mul3A_762 : vector<16xf32>
        %add3A_764 = arith.addf %add3A_749, %add3A_763 : vector<16xf32>
        %sub3A = arith.subf %add3A_756, %add3A_758 : vector<16xf32>
        %mul3A_765 = arith.constant 128 : i32
        %mul3A_766 = arith.muli %scan3A_232, %mul3A_765 : i32
        %mul3A_767 = arith.constant 16 : i32
        %mul3A_768 = arith.muli %scan3A_276, %mul3A_767 : i32
        %add3A_769 = arith.addi %mul3A_766, %mul3A_768 : i32
        %swap3A_770 = arith.index_cast %add3A_769 : i32 to index
        %swap3A_771 = tpu.vector_load %arg15[%swap3A_770] {strides = array<i32>} : memref<512xf32, #tpu.memory_space<vmem>>, vector<16xf32>,
        tpu.vector_store %arg15[%swap3A_770], %sub3A {strides = array<i32>} : memref<512xf32, #tpu.memory_space<vmem>>, vector<16xf32>,
        scf.yield %add3A_764 : vector<16xf32>
      }
      %scan3A_275 = arith.constant 8 : i32
      scf.yield %scan3A_274 : vector<16xf32>
    }
    %scan3A_230 = arith.constant 4 : i32
    %swap3A = arith.constant 0 : index
    %swap3A_231 = tpu.vector_load %arg16[%swap3A] {strides = array<i32>} : memref<16xf32, #tpu.memory_space<vmem>>, vector<16xf32>,
    tpu.vector_store %arg16[%swap3A], %scan3A_229 {strides = array<i32>} : memref<16xf32, #tpu.memory_space<vmem>>, vector<16xf32>,
    "tpu.region"() ({
      %run_scoped3A = tpu.sem_alloc : memref<!tpu.dma_semaphore, #tpu.memory_space<semaphore_mem>>
      %dma_start3A_232 = tpu.memref_slice %arg7[%mul3A_2] : memref<16384xf32, #tpu.memory_space<hbm>> -> memref<512xf32, #tpu.memory_space<hbm>>
      %dma_start3A_233 = tpu.memref_slice %arg7[%mul3A_2] : memref<16384xf32, #tpu.memory_space<hbm>> -> memref<512xf32, #tpu.memory_space<hbm>>
      tpu.enqueue_dma source(%arg15 : memref<512xf32, #tpu.memory_space<vmem>>) target(%dma_start3A_233 : memref<512xf32, #tpu.memory_space<hbm>>) target_semaphore(%run_scoped3A : memref<!tpu.dma_semaphore, #tpu.memory_space<semaphore_mem>>)
      %dma_wait3A_234 = tpu.memref_slice %arg7[%mul3A_2] : memref<16384xf32, #tpu.memory_space<hbm>> -> memref<512xf32, #tpu.memory_space<hbm>>
      %dma_wait3A_235 = tpu.memref_slice %arg7[%mul3A_2] : memref<16384xf32, #tpu.memory_space<hbm>> -> memref<512xf32, #tpu.memory_space<hbm>>
      tpu.wait_dma2 semaphore(%run_scoped3A : memref<!tpu.dma_semaphore, #tpu.memory_space<semaphore_mem>>) src(%arg15 : memref<512xf32, #tpu.memory_space<vmem>>) dst(%dma_wait3A_235 : memref<512xf32, #tpu.memory_space<hbm>>)
      tpu.yield
    }) : () -> ()
    "tpu.region"() ({
      %run_scoped3A = tpu.sem_alloc : memref<!tpu.dma_semaphore, #tpu.memory_space<semaphore_mem>>
      %dma_start3A_232 = arith.constant 0 : i32
      %dma_start3A_233 = tpu.memref_slice %arg8[%add3A, %dma_start3A_232] : memref<32x16xf32, #tpu.memory_space<hbm>> -> memref<1x16xf32, #tpu.memory_space<hbm>>
      %dma_start3A_234 = tpu.memref_squeeze %dma_start3A_233 : memref<1x16xf32, #tpu.memory_space<hbm>> -> memref<16xf32, #tpu.memory_space<hbm>>
      %dma_start3A_235 = arith.constant 0 : i32
      %dma_start3A_236 = tpu.memref_slice %arg8[%add3A, %dma_start3A_235] : memref<32x16xf32, #tpu.memory_space<hbm>> -> memref<1x16xf32, #tpu.memory_space<hbm>>
      %dma_start3A_237 = tpu.memref_squeeze %dma_start3A_236 : memref<1x16xf32, #tpu.memory_space<hbm>> -> memref<16xf32, #tpu.memory_space<hbm>>
      tpu.enqueue_dma source(%arg16 : memref<16xf32, #tpu.memory_space<vmem>>) target(%dma_start3A_237 : memref<16xf32, #tpu.memory_space<hbm>>) target_semaphore(%run_scoped3A : memref<!tpu.dma_semaphore, #tpu.memory_space<semaphore_mem>>)
      %dma_wait3A_238 = arith.constant 0 : i32
      %dma_wait3A_239 = tpu.memref_slice %arg8[%add3A, %dma_wait3A_238] : memref<32x16xf32, #tpu.memory_space<hbm>> -> memref<1x16xf32, #tpu.memory_space<hbm>>
      %dma_wait3A_240 = tpu.memref_squeeze %dma_wait3A_239 : memref<1x16xf32, #tpu.memory_space<hbm>> -> memref<16xf32, #tpu.memory_space<hbm>>
      %dma_wait3A_241 = arith.constant 0 : i32
      %dma_wait3A_242 = tpu.memref_slice %arg8[%add3A, %dma_wait3A_241] : memref<32x16xf32, #tpu.memory_space<hbm>> -> memref<1x16xf32, #tpu.memory_space<hbm>>
      %dma_wait3A_243 = tpu.memref_squeeze %dma_wait3A_242 : memref<1x16xf32, #tpu.memory_space<hbm>> -> memref<16xf32, #tpu.memory_space<hbm>>
      tpu.wait_dma2 semaphore(%run_scoped3A : memref<!tpu.dma_semaphore, #tpu.memory_space<semaphore_mem>>) src(%arg16 : memref<16xf32, #tpu.memory_space<vmem>>) dst(%dma_wait3A_243 : memref<16xf32, #tpu.memory_space<hbm>>)
      tpu.yield
    }) : () -> ()
    return
  }
}

module attributes {stable_mosaic.version = 14 : i64} {
  func.func @_tc_body(%arg0: memref<128x128xf32, #tpu.memory_space<vmem>>, %arg1: memref<32x16xf32, #tpu.memory_space<vmem>>, %arg2: memref<1x1xf32, #tpu.memory_space<smem>>) attributes {dimension_semantics = [], scalar_prefetch = 0 : i64, scratch_operands = 0 : i64, tpu.core_type = #tpu.core_type<tc>} {
    %get3A = arith.constant 0 : index
    %get3A_0 = arith.constant 0 : index
    %get3A_1 = vector.load %arg0[%get3A, %get3A_0] : memref<128x128xf32, #tpu.memory_space<vmem>>, vector<128x128xf32>
    %min3A = arith.constant 0.000000e+00 : f32
    %min3A_2 = vector.broadcast %min3A : f32 to vector<128x128xf32>
    %min3A_3 = arith.minimumf %get3A_1, %min3A_2 : vector<128x128xf32>
    %abs3A = math.absf %get3A_1 : vector<128x128xf32>
    %neg3A = arith.constant 0.000000e+00 : f32
    %neg3A_4 = vector.broadcast %neg3A : f32 to vector<128x128xf32>
    %neg3A_5 = arith.subf %neg3A_4, %abs3A : vector<128x128xf32>
    %exp3A = math.exp %neg3A_5 : vector<128x128xf32>
    %log1p3A = math.log1p %exp3A : vector<128x128xf32>
    %sub3A = arith.subf %min3A_3, %log1p3A : vector<128x128xf32>
    %reduce_sum3A = vector.shape_cast %sub3A : vector<128x128xf32> to vector<1x128x128xf32>
    %reduce_sum3A_6 = arith.constant dense<0.000000e+00> : vector<1xf32>
    %reduce_sum3A_7 = vector.multi_reduction <add>, %reduce_sum3A, %reduce_sum3A_6 [1, 2] : vector<1x128x128xf32> to vector<1xf32>
    %reduce_sum3A_8 = vector.shape_cast %reduce_sum3A_7 : vector<1xf32> to vector<1x1x1xf32>
    %reduce_sum3A_9 = vector.extract %reduce_sum3A_8[0, 0, 0] : f32 from vector<1x1x1xf32>
    %neg3A_10 = arith.constant 0.000000e+00 : f32
    %neg3A_11 = arith.subf %neg3A_10, %reduce_sum3A_9 : f32
    %get3A_12 = arith.constant 0 : index
    %get3A_13 = arith.constant 0 : index
    %get3A_14 = vector.load %arg1[%get3A_12, %get3A_13] : memref<32x16xf32, #tpu.memory_space<vmem>>, vector<32x16xf32>
    %reduce_sum3A_15 = vector.shape_cast %get3A_14 : vector<32x16xf32> to vector<1x32x16xf32>
    %reduce_sum3A_16 = arith.constant dense<0.000000e+00> : vector<1xf32>
    %reduce_sum3A_17 = vector.multi_reduction <add>, %reduce_sum3A_15, %reduce_sum3A_16 [1, 2] : vector<1x32x16xf32> to vector<1xf32>
    %reduce_sum3A_18 = vector.shape_cast %reduce_sum3A_17 : vector<1xf32> to vector<1x1x1xf32>
    %reduce_sum3A_19 = vector.extract %reduce_sum3A_18[0, 0, 0] : f32 from vector<1x1x1xf32>
    %mul3A = arith.constant 0.00999999977 : f32
    %mul3A_20 = arith.mulf %mul3A, %reduce_sum3A_19 : f32
    %add3A = arith.addf %neg3A_11, %mul3A_20 : f32
    %swap3A = arith.constant 0 : index
    %swap3A_21 = arith.constant 0 : index
    %swap3A_22 = memref.load %arg2[%swap3A, %swap3A_21] : memref<1x1xf32, #tpu.memory_space<smem>>
    memref.store %add3A, %arg2[%swap3A, %swap3A_21] : memref<1x1xf32, #tpu.memory_space<smem>>
    return
  }
}

</mosaic_0001>

<sc_bundles>
// kernel: kernel.4.cloned.1.call-start
scs
__scs_entry_jumppad:
0x0: {  	(pc) =	sbr.rel $0x88, $3  }
0x1: {  	(tag) =	ssettag $0x0;
	lr =	simm.s32 $0x1  }
0x2: {  	[smem:$0x3F9C] =	sst lr;
	_ =	strace $0xD0000000  }
0x3: {  	_ = 	snop  }
0x4: {  	_ = 	snop  }
0x5: {  	_ = 	snop  }
0x6: {  	_ = 	snop  }
0x7: {  	_ = 	snop  }
__scs_overlays_trampoline_lowered:
0x8: {  	[smem:$0x3FAB] =	sst s0  }
0x9: {  	[smem:$0x3FAC] =	sst s1  }
0xa: {  	[smem:$0x3FAD] =	sst s2  }
0xb: {  	[smem:$0x3FAE] =	sst s3  }
0xc: {  	[smem:$0x3FAF] =	sst s4  }
0xd: {  	[smem:$0x3FB0] =	sst s5  }
0xe: {  	[smem:$0x3FB1] =	sst s6  }
0xf: {  	[smem:$0x3FB2] =	sst s7  }
0x10: {  	[smem:$0x3FB3] =	sst s8  }
0x11: {  	[smem:$0x3FB4] =	sst s9;
	s0 =	simm.s32 @!p0 $0x0  }
0x12: {  	s1 =	sld [smem:$0x3F9A];
	s0 =	simm.s32 @p0 $0x1  }
0x13: {  	[smem:$0x3FB5] =	sst s0;
	s0 =	simm.s32 @!p1 $0x0  }
0x14: {  	s2 =	sld [smem:$0x3F99];
	s0 =	simm.s32 @p1 $0x1  }
0x15: {  	[smem:$0x3FB6] =	sst s0;
	s0 =	simm.s32 @!p2 $0x0  }
0x16: {  	s3 =	sld [smem:$0x3FDB];
	s0 =	simm.s32 @p2 $0x1  }
0x17: {  	s4 =	simm.s32 $0x1BF5;
	[smem:$0x3FB8] =	sst s0  }
0x18: {  	s0 =	sld [smem:$0x3F9B];
	_ =	swait.ge [sflag:s4], $0x0  }
0x19: {  	s7 =	sld [smem:$0x3F9C]  }
0x1a: {  	s8 =	sadd.s32 $0xFFFFE003, lr  }
0x1b: {  	s9 =	sadd.s32 $0xFFFFFEF7, lr;
	s5 =	simm.s32 $0xFFFFFFFF;
	p2 =	slt.u32 s8, $0xFFFFF086  }
0x1c: {  	p1 =	slt.u32 s9, $0xF7A;
	s5 =	simm.s32 @!p2 $0x0  }
0x1d: {  	s5 =	simm.s32 @p1 $0x1;
	p0 =	seq.s32 s7, s2  }
0x1e: {  	s7 =	smul.u32 @!p0 $0xF7A, s2;
	p2 =	seq.s32 @!p0 s5, $0x0  }
0x1f: {  	s9 =	smul.u32 $0xF7A, s1;
	s8 =	simm.s32 @!p0 $0x1BF5;
	p2 =	por !p2, p0  }
0x20: {  	[sflag:s8] =	ssyncset.s32 @!p0 $0xFFFFF086;
	s6 =	sadd.s32 @!p0 s3, s7;
	s7 =	simm.s32 @!p0 $0x108  }
0x21: {  	s3 =	sadd.s32 s3, s9;
	s6 =	sadd.s32 @!p0 $0x88, s6;
	s7 =	simm.s32 @p2 $0x1082  }
0x22: {  	[simem:s7], [sflag:s8] =	dma.local @!p0 [hbm:s6], $0xF7A  }
0x23: {  	s9 =	sor.u32 $0xD0000000, s2;
	s6 =	simm.s32 $0x108;
	_ =	swait.ge @!p0 [sflag:s8], $0x0  }
0x24: {  	s3 =	sadd.s32 $0x88, s3;
	s6 =	simm.s32 @!p1 $0x1082;
	[sflag:s4] =	ssyncset.s32 $0xFFFFF086  }
0x25: {  	[simem:s6], [sflag:s4] =	dma.local [hbm:s3], $0xF7A  }
0x26: {  	[smem:$0x3F9C] =	sst s1;
	(tag) =	ssettag s2;
	_ =	strace s9  }
0x27: {  	s1 =	sld [smem:$0x3FAC]  }
0x28: {  	s2 =	sld [smem:$0x3FAD]  }
0x29: {  	s4 =	sld [smem:$0x3FAF]  }
0x2a: {  	p0 =	seq.s32 s5, $0x0;
	s5 =	sld [smem:$0x3FB0]  }
0x2b: {  	s6 =	sld [smem:$0x3FB1]  }
0x2c: {  	s7 =	sld [smem:$0x3FB2]  }
0x2d: {  	s3 =	simm.s32 $0x108;
	s8 =	sld [smem:$0x3FB3]  }
0x2e: {  	s3 =	simm.s32 @!p0 $0x1082;
	s9 =	sld [smem:$0x3FB4]  }
0x2f: {  	lr =	sadd.s32 s0, s3;
	s0 =	sld [smem:$0x3FAB]  }
0x30: {  	s3 =	sld [smem:$0x3FAE]  }
0x31: {  	[smem:$0x3FB7] =	sst s10  }
0x32: {  	s10 =	sld [smem:$0x3FB5];
	_ =	sdelay $0x3  }
0x33: {  	p0 =	seq.s32 s10, $0x1;
	s10 =	sld [smem:$0x3FB7];
	_ =	sdelay $0x3  }
0x34: {  	[smem:$0x3FB7] =	sst s10  }
0x35: {  	s10 =	sld [smem:$0x3FB6];
	_ =	sdelay $0x3  }
0x36: {  	p1 =	seq.s32 s10, $0x1;
	s10 =	sld [smem:$0x3FB7];
	_ =	sdelay $0x3  }
0x37: {  	[smem:$0x3FB7] =	sst s10  }
0x38: {  	s10 =	sld [smem:$0x3FB8]  }
0x39: {  	_ = 	snop;
	(pc) =	sbr.ind lr, $3  }
0x3a: {  	_ = 	snop  }
0x3b: {  	_ = 	snop  }
0x3c: {  	p2 =	seq.s32 s10, $0x1;
	s10 =	sld [smem:$0x3FB7]  }
0x3d: {  	_ =	shalt  }
0x3e: {  	_ =	shalt  }
0x3f: {  	_ =	shalt  }
0x40: {  	_ =	shalt  }
0x41: {  	_ =	shalt  }
0x42: {  	_ =	shalt  }
0x43: {  	_ =	shalt  }
0x44: {  	_ =	shalt  }
0x45: {  	_ =	shalt  }
0x46: {  	_ =	shalt  }
0x47: {  	_ =	shalt  }
0x48: {  	_ =	shalt  }
0x49: {  	_ =	shalt  }
0x4a: {  	_ =	shalt  }
0x4b: {  	_ =	shalt  }
0x4c: {  	_ =	shalt  }
0x4d: {  	_ =	shalt  }
0x4e: {  	_ =	shalt  }
0x4f: {  	_ =	shalt  }
0x50: {  	_ =	shalt  }
0x51: {  	_ =	shalt  }
0x52: {  	_ =	shalt  }
0x53: {  	_ =	shalt  }
0x54: {  	_ =	shalt  }
0x55: {  	_ =	shalt  }
0x56: {  	_ =	shalt  }
0x57: {  	_ =	shalt  }
0x58: {  	_ =	shalt  }
0x59: {  	_ =	shalt  }
0x5a: {  	_ =	shalt  }
0x5b: {  	_ =	shalt  }
0x5c: {  	_ =	shalt  }
0x5d: {  	_ =	shalt  }
0x5e: {  	_ =	shalt  }
0x5f: {  	_ =	shalt  }
0x60: {  	_ =	shalt  }
0x61: {  	_ =	shalt  }
0x62: {  	_ =	shalt  }
0x63: {  	_ =	shalt  }
0x64: {  	_ =	shalt  }
0x65: {  	_ =	shalt  }
0x66: {  	_ =	shalt  }
0x67: {  	_ =	shalt  }
0x68: {  	_ =	shalt  }
0x69: {  	_ =	shalt  }
0x6a: {  	_ =	shalt  }
0x6b: {  	_ =	shalt  }
0x6c: {  	_ =	shalt  }
0x6d: {  	_ =	shalt  }
0x6e: {  	_ =	shalt  }
0x6f: {  	_ =	shalt  }
0x70: {  	_ =	shalt  }
0x71: {  	_ =	shalt  }
0x72: {  	_ =	shalt  }
0x73: {  	_ =	shalt  }
0x74: {  	_ =	shalt  }
0x75: {  	_ =	shalt  }
0x76: {  	_ =	shalt  }
0x77: {  	_ =	shalt  }
0x78: {  	_ =	shalt  }
0x79: {  	_ =	shalt  }
0x7a: {  	_ =	shalt  }
0x7b: {  	_ =	shalt  }
0x7c: {  	_ =	shalt  }
0x7d: {  	_ =	shalt  }
0x7e: {  	_ =	shalt  }
0x7f: {  	_ =	shalt  }
0x80: {  	_ =	shalt  }
0x81: {  	_ =	shalt  }
0x82: {  	_ =	shalt  }
0x83: {  	_ =	shalt  }
0x84: {  	_ =	shalt  }
0x85: {  	_ =	shalt  }
0x86: {  	_ =	shalt  }
0x87: {  	_ =	shalt  }
.Lfunc_end0:
.L_simem_size_0:
called_computation_lowered:
.L_overlay_start_0:
0x88: {  	s2 =	sld [smem:$0x3FD9]  }
0x89: {  	s3 =	sld [smem:$0x3FFE];
	_ =	sdelay $0x1  }
0x8a: {  	s1 =	srdreg.scid  }
0x8b: {  	s0 =	sand.u32 $0x1, s1  }
0x8c: {  	s17 =	sshll.u32 s0, $0xA;
	s2 =	sadd.s32 s3, s2  }
0x8d: {  	s2 =	sadd.s32 s2, s17  }
0x8e: {  	[smem:$0x3FC3] =	sst s2  }
0x8f: {  	_ = 	snop  }
0x90: {  	s2 =	sld [smem:$0x3FC9]  }
0x91: {  	s18 =	sld [smem:$0x3FC8]  }
0x92: {  	s4 =	sld [smem:$0x3FC7];
	(tm) =	ssettm $0x1  }
0x93: {  	s5 =	sld [smem:$0x3FFB];
	_ =	sdelay $0x3  }
0x94: {  	_ =	strace s5  }
0x95: {  	s5 =	sld [smem:$0x3FFC];
	_ =	sdelay $0x3  }
0x96: {  	_ =	strace s5  }
0x97: {  	s5 =	sld [smem:$0x3FFD];
	_ =	sdelay $0x3  }
0x98: {  	_ =	strace s5  }
0x99: {  	_ =	strace $0x8FFFFFFF  }
0x9a: {  	s19 =	sld [smem:$0x3FDB];
	_ =	sdelay $0x1  }
0x9b: {  	s6 =	simm.s32 $_scs_section_size  }
0x9c: {  	s7 =	simm.s32 $_size__tile_overlayer_lowered;
	s8 =	simm.s32 $_tile_overlayer_lowered  }
0x9d: {  	s22 =	simm.s32 $0x1BFF;
	s21 =	sshll.u32 s8, $0x1;
	s5 =	sadd.s32 s6, s19  }
0x9e: {  	s9 =	simm.s32 $0x0;
	s20 =	sshll.u32 s7, $0x1;
	s7 =	sadd.s32 s21, s5  }
0x9f: {  	[timem:s9], [sflag:s22] =	dma.local [hbm:s7], s20  }
0xa0: {  	_ =	swait.ge [sflag:s22], s20  }
0xa1: {  	s6 =	ssub.s32 $0x0, s20;
	[sflag:s22] =	ssyncset.done $0x0  }
0xa2: {  	[sflag:s22] =	ssyncadd.s32 s6;
	_ =	sdelay $0x1  }
0xa3: {  	s23 =	simm.s32 $0x1B8B  }
0xa4: {  	_ =	swait.ge [sflag:s23], $0x1  }
0xa5: {  	[sflag:s23] =	ssyncset.done $0x0  }
0xa6: {  	s25 =	simm.s32 $0x1B8E;
	s24 =	sld [smem:$0x3FFE];
	[sflag:s23] =	ssyncadd.s32 $0xFFFFFFFF  }
0xa7: {  	s26 =	simm.s32 $execute0_lowered;
	[smem:$0x3FD2] =	sst s25  }
0xa8: {  	s7 =	sshll.u32 s26, $0x1;
	_ =	strace $0x80000046;
	[dreg:$0x1] =	wrdreg $0xFFFFFFFF  }
0xa9: {  	s28 =	simm.s32 $_size_execute0_lowered;
	s5 =	sadd.s32 s5, s7;
	[dreg:$0x0] =	wrdreg $0x0  }
0xaa: {  	s7 =	sshll.u32 s28, $0x1;
	[dreg:$0x2] =	wrdreg s5  }
0xab: {  	[dreg:$0x3] =	wrdreg s7  }
0xac: {  	[dreg:$0x4] =	wrdreg $0xC0  }
0xad: {  	_ =	task [dreg:s9], $0x5FFFF  }
0xae: {  	[dreg:$0x1] =	wrdreg $0xFFFFFFFF  }
0xaf: {  	[dreg:$0x0] =	wrdreg $0x60  }
0xb0: {  	[dreg:$0x2] =	wrdreg s2  }
0xb1: {  	[dreg:$0x3] =	wrdreg s18  }
0xb2: {  	[dreg:$0x4] =	wrdreg s4  }
0xb3: {  	[dreg:$0x5] =	wrdreg s24  }
0xb4: {  	[dreg:$0x6] =	wrdreg $0x9  }
0xb5: {  	_ =	task.clear_ibuf [dreg:s9], $0x7FFFF;
	_ =	strace $0x90000046  }
0xb6: {  	s29 =	simm.s32 $0x9;
	_ =	strace $0x80000048  }
0xb7: {  	_ =	swait.ge [sflag:s29], $0x1  }
0xb8: {  	[sflag:s29] =	ssyncadd.s32 $0xFFFFFFFF  }
0xb9: {  	_ =	strace $0x90000048  }
0xba: {  	_ =	sfence  }
0xbb: {  	s30 =	sld [smem:$0x0];
	_ =	sdelay $0x2  }
0xbc: {  	s31 =	sshll.u32 s1, $0xD;
	s1 =	sshrl.u32 s1, $0x2  }
0xbd: {  	s3 =	sand.u32 $0x4000, s31;
	s1 =	sadd.s32 s1, s30  }
0xbe: {  	s0 =	sor.u32 s3, s0;
	s1 =	sshll.u32 s1, $0x11  }
0xbf: {  	s0 =	sor.u32 s1, s0  }
0xc0: {  	s0 =	sadd.s32 $0x8F2B, s0  }
0xc1: {  	[sflag:s0] =	ssyncadd.remote.s32 $0x1  }
0xc2: {  	_ =	sfence.sel $0xFFFF  }
0xc3: {  	[dreg:$0x0] =	wrdreg $0xFFFFFFFF;
	(pc) =	sbr.abs _section_cstart, $3  }
0xc4: {  	[dreg:$0x1] =	wrdreg $0xFFFFFFFF  }
0xc5: {  	_ =	task.clear_ibuf [dreg:s9], $0x2FFFF;
	_ =	strace $0x9FFFFFFF  }
0xc6: {  	(tm) =	ssettm $0x7FFFFFFF  }
0xc7: {  	_ =	shalt  }
tec
execute0_lowered:
.L_overlay_start_1:
0x0: {  	(tag) =	ssettag $0x1  }
0x1: {  	s0 =	rddreg [dreg:$0x0]  }
0x2: {  	s1 =	rddreg [dreg:$0x1]  }
0x3: {  	s16 =	rddreg [dreg:$0x2]  }
0x4: {  	s5 =	rddreg [dreg:$0x3];
	s2 =	simm.s32 $0x0;
	s3 =	srdreg.scid  }
0x5: {  	s4 =	stileid.u32;
	s22 =	simm.s32 $0x80;
	s21 =	simm.s32 $0x2600  }
0x6: {  	s23 =	simm.s32 $0x3600;
	s24 =	simm.s32 $0x2;
	s25 =	simm.s32 $0x3800  }
0x7: {  	s26 =	simm.s32 $0x0;
	[smem:$0x7FF] =	sst s2;
	s6 =	sand.u32 $0x1, s3  }
0x8: {  	s4 =	sshll.u32 s4, $0x1;
	s3 =	sadd.s32 $0xF42E00, s5;
	_ =	strace $0x80000047  }
0x9: {  	s7 =	sor.u32 s6, s4;
	s4 =	sadd.s32 $0x1313800, s5;
	s6 =	ssub.s32 $0x2, s6  }
0xa: {  	s12 =	sshll.u32 s7, $0x6;
	s7 =	sshll.u32 s7, $0x1;
	s8 =	sshrl.u32 s6, $0x1  }
0xb: {  	s17 =	sadd.s32 s12, s5;
	s18 =	sadd.s32 s7, s5;
	s19 =	ssub.s32 s6, s8  }
0xc: {  	s5 =	sadd.s32 s0, s12;
	s6 =	sadd.s32 s1, s12;
	s7 =	sadd.s32 s16, s12  }
0xd: {  	s10 =	sor.u32 $0x10, s12;
	s13 =	sor.u32 $0x20, s12;
	s20 =	sor.u32 $0x30, s12  }
0xe: {  	s8 =	sadd.s32 s0, s10;
	s9 =	sadd.s32 s1, s10;
	s10 =	sadd.s32 s16, s10  }
0xf: {  	s11 =	sadd.s32 s0, s13;
	s12 =	sadd.s32 s1, s13;
	s13 =	sadd.s32 s16, s13  }
0x10: {  	s14 =	sadd.s32 s0, s20;
	s15 =	sadd.s32 s1, s20;
	s16 =	sadd.s32 s16, s20  }
0x11: {  	v0 =	vlaneseq.u32;
	s17 =	sadd.s32 $0xC00, s17;
	s18 =	sadd.s32 $0xA00, s18;
	s19 =	smax.u32 s19, $0x1  }
0x12: {  	v0 =	vmul.u32 $0x20, v0;
	s0 =	simm.s32 $0x1;
	s1 =	simm.s32 $0x600;
	s20 =	simm.s32 $0x1600  }
.LBB2_1:
0x13: {  	[tilespmem:s2], [sflag:$0x1] =	stream.linear.gather [hbm4b:s5+s2], $0x80, $0x38;
	[tilespmem:$0x3810] =	vst v63  }
0x14: {  	s28 =	simm.s32 $0x200  }
0x15: {  	[tilespmem:s28], [sflag:$0x1] =	stream.linear.gather [hbm4b:s6+s2], $0x80, $0x38;
	[tilespmem:$0x3810] =	vst v63  }
0x16: {  	s30 =	simm.s32 $0x400  }
0x17: {  	[tilespmem:s30], [sflag:$0x1] =	stream.linear.gather [hbm4b:s7+s2], $0x80, $0x38;
	[tilespmem:$0x3810] =	vst v63  }
0x18: {  	_ = 	snop  }
0x19: {  	[tilespmem:s22], [sflag:$0x1] =	stream.linear.gather [hbm4b:s8+s2], $0x80, $0x38;
	[tilespmem:$0x3810] =	vst v63  }
0x1a: {  	s30 =	simm.s32 $0x280  }
0x1b: {  	[tilespmem:s30], [sflag:$0x1] =	stream.linear.gather [hbm4b:s9+s2], $0x80, $0x38;
	[tilespmem:$0x3810] =	vst v63  }
0x1c: {  	s30 =	simm.s32 $0x480  }
0x1d: {  	[tilespmem:s30], [sflag:$0x1] =	stream.linear.gather [hbm4b:s10+s2], $0x80, $0x38;
	[tilespmem:$0x3810] =	vst v63  }
0x1e: {  	s30 =	simm.s32 $0x100  }
0x1f: {  	[tilespmem:s30], [sflag:$0x1] =	stream.linear.gather [hbm4b:s11+s2], $0x80, $0x38;
	[tilespmem:$0x3810] =	vst v63  }
0x20: {  	s30 =	simm.s32 $0x300  }
0x21: {  	[tilespmem:s30], [sflag:$0x1] =	stream.linear.gather [hbm4b:s12+s2], $0x80, $0x38;
	[tilespmem:$0x3810] =	vst v63  }
0x22: {  	s30 =	simm.s32 $0x500  }
0x23: {  	[tilespmem:s30], [sflag:$0x1] =	stream.linear.gather [hbm4b:s13+s2], $0x80, $0x38;
	[tilespmem:$0x3810] =	vst v63  }
0x24: {  	s30 =	simm.s32 $0x180  }
0x25: {  	[tilespmem:s30], [sflag:$0x1] =	stream.linear.gather [hbm4b:s14+s2], $0x80, $0x38;
	[tilespmem:$0x3810] =	vst v63  }
0x26: {  	s30 =	simm.s32 $0x380  }
0x27: {  	[tilespmem:s30], [sflag:$0x1] =	stream.linear.gather [hbm4b:s15+s2], $0x80, $0x38;
	[tilespmem:$0x3810] =	vst v63  }
0x28: {  	s30 =	simm.s32 $0x580  }
0x29: {  	[tilespmem:s30], [sflag:$0x1] =	stream.linear.gather [hbm4b:s16+s2], $0x80, $0x38;
	[tilespmem:$0x3810] =	vst v63  }
0x2a: {  	_ =	swait.ge [sflag:s0], $0x80  }
0x2b: {  	[sflag:s0] =	ssyncset.done $0x0  }
0x2c: {  	[sflag:s0] =	ssyncadd.s32 $0xFFFFFF80  }
0x2d: {  	_ =	swait.ge [sflag:s0], $0x80  }
0x2e: {  	[sflag:s0] =	ssyncset.done $0x0  }
0x2f: {  	[sflag:s0] =	ssyncadd.s32 $0xFFFFFF80  }
0x30: {  	_ =	swait.ge [sflag:s0], $0x80  }
0x31: {  	[sflag:s0] =	ssyncset.done $0x0  }
0x32: {  	[sflag:s0] =	ssyncadd.s32 $0xFFFFFF80  }
0x33: {  	_ =	swait.ge [sflag:s0], $0x80  }
0x34: {  	[sflag:s0] =	ssyncset.done $0x0  }
0x35: {  	[sflag:s0] =	ssyncadd.s32 $0xFFFFFF80  }
0x36: {  	_ =	swait.ge [sflag:s0], $0x80  }
0x37: {  	[sflag:s0] =	ssyncset.done $0x0  }
0x38: {  	[sflag:s0] =	ssyncadd.s32 $0xFFFFFF80  }
0x39: {  	_ =	swait.ge [sflag:s0], $0x80  }
0x3a: {  	[sflag:s0] =	ssyncset.done $0x0  }
0x3b: {  	[sflag:s0] =	ssyncadd.s32 $0xFFFFFF80  }
0x3c: {  	_ =	swait.ge [sflag:s0], $0x80  }
0x3d: {  	[sflag:s0] =	ssyncset.done $0x0  }
0x3e: {  	[sflag:s0] =	ssyncadd.s32 $0xFFFFFF80  }
0x3f: {  	_ =	swait.ge [sflag:s0], $0x80  }
0x40: {  	[sflag:s0] =	ssyncset.done $0x0  }
0x41: {  	[sflag:s0] =	ssyncadd.s32 $0xFFFFFF80  }
0x42: {  	_ =	swait.ge [sflag:s0], $0x80  }
0x43: {  	[sflag:s0] =	ssyncset.done $0x0  }
0x44: {  	[sflag:s0] =	ssyncadd.s32 $0xFFFFFF80  }
0x45: {  	_ =	swait.ge [sflag:s0], $0x80  }
0x46: {  	[sflag:s0] =	ssyncset.done $0x0  }
0x47: {  	[sflag:s0] =	ssyncadd.s32 $0xFFFFFF80  }
0x48: {  	_ =	swait.ge [sflag:s0], $0x80  }
0x49: {  	[sflag:s0] =	ssyncset.done $0x0  }
0x4a: {  	[sflag:s0] =	ssyncadd.s32 $0xFFFFFF80  }
0x4b: {  	_ =	swait.ge [sflag:s0], $0x80  }
0x4c: {  	[sflag:s0] =	ssyncset.done $0x0  }
0x4d: {  	v2 =	vimm.f32 $0.0e+00;
	s31 =	simm.s32 $0x3600;
	s29 =	simm.s32 $0x0;
	[sflag:s0] =	ssyncadd.s32 $0xFFFFFF80  }
.LBB2_2:
0x4e: {  	s28 =	sshll.u32 s29, $0x7  }
0x4f: {  	[tilespmem:s1], [sflag:$0x1] =	stream.indirect.gather [hbm4b:s3+s22], $0x20, s28, s22, $0xb8;
	[tilespmem:$0x3810] =	vst v63  }
0x50: {  	s30 =	sadd.s32 $0x200, s28  }
0x51: {  	[tilespmem:s20], [sflag:$0x1] =	stream.indirect.gather [hbm4b:s4+s22], $0x20, s30, s22, $0xb8;
	[tilespmem:$0x3810] =	vst v63  }
0x52: {  	s28 =	sadd.s32 $0x400, s28  }
0x53: {  	[tilespmem:s21], [sflag:$0x1] =	stream.indirect.gather [hbm4b:s4+s22], $0x20, s28, s22, $0xb8;
	[tilespmem:$0x3810] =	vst v63  }
0x54: {  	_ =	swait.ge [sflag:s0], $0x1000  }
0x55: {  	[sflag:s0] =	ssyncset.done $0x0  }
0x56: {  	[sflag:s0] =	ssyncadd.s32 $0xFFFFF000  }
0x57: {  	_ =	swait.ge [sflag:s0], $0x1000  }
0x58: {  	[sflag:s0] =	ssyncset.done $0x0  }
0x59: {  	[sflag:s0] =	ssyncadd.s32 $0xFFFFF000  }
0x5a: {  	_ =	swait.ge [sflag:s0], $0x1000  }
0x5b: {  	[sflag:s0] =	ssyncset.done $0x0  }
0x5c: {  	s30 =	simm.s32 $0x0;
	s28 =	smov.u32 s31;
	[sflag:s0] =	ssyncadd.s32 $0xFFFFF000  }
.LBB2_3:
0x5d: {  	v1 =	vmov s30  }
0x5e: {  	v1 =	vshll.u32 v1, $0x5  }
0x5f: {  	v1 =	vor.u32 v0, v1;
	_ =	sdelay $0x2  }
0x60: {  	v4 =	vor.u32 $0x1, v1;
	_ =	sdelay $0x1  }
0x61: {  	v3 =	vld.idx.msk [tilespmem:v1+s1+$0x0], $0xffff  }
0x62: {  	v7 =	vor.u32 $0x2, v1;
	v5 =	vld.idx.msk [tilespmem:v1+s20+$0x0], $0xffff  }
0x63: {  	v6 =	vld.idx.msk [tilespmem:v1+s21+$0x0], $0xffff  }
0x64: {  	v8 =	vld.idx.msk [tilespmem:v4+s1+$0x0], $0xffff  }
0x65: {  	v13 =	vor.u32 $0x3, v1;
	v11 =	vld.idx.msk [tilespmem:v4+s20+$0x0], $0xffff  }
0x66: {  	v4 =	vld.idx.msk [tilespmem:v4+s21+$0x0], $0xffff  }
0x67: {  	v12 =	vld.idx.msk [tilespmem:v7+s1+$0x0], $0xffff  }
0x68: {  	v15 =	vor.u32 $0x4, v1;
	v14 =	vld.idx.msk [tilespmem:v7+s20+$0x0], $0xffff  }
0x69: {  	v7 =	vld.idx.msk [tilespmem:v7+s21+$0x0], $0xffff  }
0x6a: {  	v51 =	vld.idx.msk [tilespmem:v13+s1+$0x0], $0xffff  }
0x6b: {  	v54 =	vor.u32 $0x5, v1;
	v17 =	vld.idx.msk [tilespmem:v13+s20+$0x0], $0xffff  }
0x6c: {  	v53 =	vld.idx.msk [tilespmem:v13+s21+$0x0], $0xffff  }
0x6d: {  	v18 =	vor.u32 $0x6, v1;
	v57 =	vld.idx.msk [tilespmem:v15+s1+$0x0], $0xffff;
	v9 =	vmul.f32 v3, v3;
	v10 =	vmul.f32 v5, v5  }
0x6e: {  	v58 =	vld.idx.msk [tilespmem:v15+s20+$0x0], $0xffff;
	v45 =	vmul.f32 v6, v6;
	v5 =	vmul.f32 v5, v3  }
0x6f: {  	v24 =	vor.u32 $0x7, v1;
	v63 =	vld.idx.msk [tilespmem:v15+s21+$0x0], $0xffff;
	v3 =	vmul.f32 v6, v3;
	v47 =	vmul.f32 v8, v8  }
0x70: {  	v20 =	vld.idx.msk [tilespmem:v54+s1+$0x0], $0xffff;
	v48 =	vmul.f32 v11, v11;
	v11 =	vmul.f32 v11, v8  }
0x71: {  	v21 =	vld.idx.msk [tilespmem:v54+s20+$0x0], $0xffff;
	v50 =	vmul.f32 v4, v4;
	v52 =	vmul.f32 v12, v12  }
0x72: {  	v26 =	vld.idx.msk [tilespmem:v18+s1+$0x0], $0xffff;
	v16 =	vmul.f32 v14, v14;
	v4 =	vmul.f32 v4, v8  }
0x73: {  	v31 =	vor.u32 $0x8, v1;
	v27 =	vld.idx.msk [tilespmem:v18+s20+$0x0], $0xffff;
	v55 =	vmul.f32 v14, v12;
	v56 =	vmul.f32 v7, v7  }
0x74: {  	v33 =	vld.idx.msk [tilespmem:v24+s1+$0x0], $0xffff;
	v59 =	vmul.f32 v7, v12;
	v61 =	vmul.f32 v51, v51  }
0x75: {  	v35 =	vld.idx.msk [tilespmem:v24+s20+$0x0], $0xffff;
	v62 =	vmul.f32 v17, v17;
	v19 =	vmul.f32 v17, v51  }
0x76: {  	v38 =	vld.idx.msk [tilespmem:v24+s21+$0x0], $0xffff;
	v8 =	vmul.f32 v53, v53;
	v22 =	vmul.f32 v57, v57  }
0x77: {  	v23 =	vmul.f32 v58, v58;
	v25 =	vmul.f32 v63, v63  }
0x78: {  	v42 =	vld.idx.msk [tilespmem:v31+s1+$0x0], $0xffff;
	v28 =	vmul.f32 v63, v57;
	v29 =	vmul.f32 v21, v20  }
0x79: {  	v30 =	vmul.f32 v20, v20;
	v12 =	vmul.f32 v21, v21  }
0x7a: {  	v39 =	vor.u32 $0x9, v1;
	v36 =	vmul.f32 v26, v26;
	v37 =	vmul.f32 v27, v27  }
0x7b: {  	v44 =	vmul.f32 v35, v33;
	v7 =	vmul.f32 v38, v33;
	v9 =	vadd.f32 v10, v9  }
0x7c: {  	v43 =	vld.idx.msk [tilespmem:v31+s20+$0x0], $0xffff;
	v5 =	vadd.f32 $0.0e+00, v5;
	v3 =	vadd.f32 $0.0e+00, v3;
	v10 =	vmul.f32 v53, v51  }
0x7d: {  	v51 =	vmul.f32 v42, v42;
	v49 =	vadd.f32 v48, v47;
	v34 =	vadd.f32 v12, v30  }
0x7e: {  	v14 =	vld.idx.msk [tilespmem:v18+s21+$0x0], $0xffff;
	v53 =	vor.u32 $0xB, v1;
	v46 =	vadd.f32 v45, v9;
	v5 =	vadd.f32 v11, v5  }
0x7f: {  	v47 =	vor.u32 $0xA, v1;
	v11 =	vadd.f32 v16, v52;
	v3 =	vadd.f32 v4, v3  }
0x80: {  	v48 =	vld.idx.msk [tilespmem:v39+s1+$0x0], $0xffff;
	v4 =	vmul.f32 v58, v57;
	v6 =	vadd.f32 v50, v49;
	v2 =	vadd.f32 v46, v2  }
0x81: {  	v9 =	vld.idx.msk [tilespmem:v54+s21+$0x0], $0xffff;
	v52 =	vmul.f32 v43, v43;
	v5 =	vadd.f32 v55, v5;
	v60 =	vadd.f32 v56, v11  }
0x82: {  	v45 =	vmul.f32 v33, v33;
	v3 =	vadd.f32 v59, v3;
	v11 =	vadd.f32 v62, v61  }
0x83: {  	v40 =	vmul.f32 v14, v26;
	v57 =	vadd.f32 v52, v51;
	v2 =	vadd.f32 v6, v2  }
0x84: {  	v50 =	vld.idx.msk [tilespmem:v39+s20+$0x0], $0xffff;
	v41 =	vmul.f32 v14, v14;
	v5 =	vadd.f32 v19, v5;
	v8 =	vadd.f32 v8, v11  }
0x85: {  	v46 =	vld.idx.msk [tilespmem:v31+s21+$0x0], $0xffff;
	v3 =	vadd.f32 v10, v3;
	v6 =	vadd.f32 v23, v22;
	v10 =	vmul.f32 v35, v35  }
0x86: {  	v21 =	vmul.f32 v48, v48;
	v23 =	vor.u32 $0xC, v1;
	v32 =	vmul.f32 v9, v20  }
0x87: {  	v24 =	vld.idx.msk [tilespmem:v53+s20+$0x0], $0xffff;
	v9 =	vmul.f32 v9, v9;
	v2 =	vadd.f32 v60, v2;
	v4 =	vadd.f32 v4, v5  }
0x88: {  	v59 =	vld.idx.msk [tilespmem:v47+s1+$0x0], $0xffff;
	v6 =	vadd.f32 v25, v6;
	v3 =	vadd.f32 v28, v3;
	v5 =	vmul.f32 v27, v26  }
0x89: {  	v63 =	vld.idx.msk [tilespmem:v47+s21+$0x0], $0xffff;
	v49 =	vadd.f32 v10, v45;
	v62 =	vmul.f32 v50, v48;
	v10 =	vmul.f32 v50, v50  }
0x8a: {  	v22 =	vld.idx.msk [tilespmem:v53+s1+$0x0], $0xffff;
	v56 =	vmul.f32 v46, v42;
	v58 =	vmul.f32 v46, v46;
	v2 =	vadd.f32 v8, v2  }
0x8b: {  	v46 =	vor.u32 $0xF, v1;
	v4 =	vadd.f32 v29, v4;
	v3 =	vadd.f32 v32, v3  }
0x8c: {  	v60 =	vld.idx.msk [tilespmem:v47+s20+$0x0], $0xffff;
	v8 =	vadd.f32 v9, v34;
	v9 =	vmul.f32 v38, v38;
	v25 =	vadd.f32 v10, v21  }
0x8d: {  	v28 =	vld.idx.msk [tilespmem:v53+s21+$0x0], $0xffff;
	v29 =	vor.u32 $0xD, v1;
	v35 =	vmul.f32 v24, v24;
	v61 =	vadd.f32 v58, v57  }
0x8e: {  	v26 =	vmul.f32 v59, v59;
	v32 =	vmul.f32 v63, v63;
	v2 =	vadd.f32 v6, v2  }
0x8f: {  	v55 =	vld.idx.msk [tilespmem:v39+s21+$0x0], $0xffff;
	v34 =	vmul.f32 v22, v22;
	v6 =	vadd.f32 v37, v36;
	v4 =	vadd.f32 v5, v4  }
0x90: {  	v3 =	vadd.f32 v40, v3;
	v54 =	vadd.f32 v9, v49;
	v5 =	vmul.f32 v43, v42  }
0x91: {  	v33 =	vld.idx.msk [tilespmem:v23+s1+$0x0], $0xffff;
	v36 =	vmul.f32 v63, v59;
	v40 =	vor.u32 $0xE, v1;
	v63 =	vor.u32 $0x11, v1  }
0x92: {  	v18 =	vld.idx.msk [tilespmem:v23+s20+$0x0], $0xffff;
	v27 =	vmul.f32 v60, v60;
	v38 =	vmul.f32 v28, v28;
	v2 =	vadd.f32 v8, v2  }
0x93: {  	v37 =	vld.idx.msk [tilespmem:v23+s21+$0x0], $0xffff;
	v42 =	vmul.f32 v28, v22;
	v6 =	vadd.f32 v41, v6;
	v4 =	vadd.f32 v44, v4  }
0x94: {  	v3 =	vadd.f32 v7, v3;
	v8 =	vmul.f32 v55, v55;
	v7 =	vmul.f32 v24, v22;
	v57 =	vld.idx.msk [tilespmem:v46+s1+$0x0], $0xffff  }
0x95: {  	v58 =	vld.idx.msk [tilespmem:v46+s20+$0x0], $0xffff;
	v31 =	vadd.f32 v27, v26;
	v26 =	vor.u32 $0x12, v1;
	v2 =	vadd.f32 v6, v2  }
0x96: {  	v39 =	vld.idx.msk [tilespmem:v29+s1+$0x0], $0xffff;
	v4 =	vadd.f32 v5, v4;
	v3 =	vadd.f32 v56, v3;
	v6 =	vmul.f32 v55, v48  }
0x97: {  	v41 =	vld.idx.msk [tilespmem:v29+s20+$0x0], $0xffff;
	v30 =	vadd.f32 v8, v25;
	v5 =	vmul.f32 v60, v59;
	v43 =	vmul.f32 v33, v33  }
0x98: {  	v45 =	vld.idx.msk [tilespmem:v29+s21+$0x0], $0xffff;
	v44 =	vmul.f32 v18, v18;
	v47 =	vmul.f32 v18, v33;
	v55 =	vor.u32 $0x10, v1  }
0x99: {  	v8 =	vadd.f32 v32, v31;
	v49 =	vmul.f32 v37, v37;
	v50 =	vld.idx.msk [tilespmem:v40+s1+$0x0], $0xffff;
	v2 =	vadd.f32 v54, v2  }
0x9a: {  	v53 =	vld.idx.msk [tilespmem:v40+s20+$0x0], $0xffff;
	v9 =	vmul.f32 v37, v33;
	v4 =	vadd.f32 v62, v4;
	v3 =	vadd.f32 v6, v3  }
0x9b: {  	v28 =	vld.idx.msk [tilespmem:v63+s1+$0x0], $0xffff;
	v6 =	vadd.f32 v35, v34;
	v48 =	vadd.f32 v44, v43;
	v34 =	vor.u32 $0x13, v1  }
0x9c: {  	v29 =	vld.idx.msk [tilespmem:v63+s20+$0x0], $0xffff;
	v23 =	vmul.f32 v57, v57;
	v24 =	vmul.f32 v58, v58;
	v2 =	vadd.f32 v61, v2  }
0x9d: {  	v33 =	vld.idx.msk [tilespmem:v63+s21+$0x0], $0xffff;
	v4 =	vadd.f32 v5, v4;
	v3 =	vadd.f32 v36, v3;
	v51 =	vmul.f32 v39, v39  }
0x9e: {  	v54 =	vld.idx.msk [tilespmem:v40+s21+$0x0], $0xffff;
	v6 =	vadd.f32 v38, v6;
	v52 =	vmul.f32 v41, v41;
	v5 =	vmul.f32 v41, v39  }
0x9f: {  	v62 =	vld.idx.msk [tilespmem:v46+s21+$0x0], $0xffff;
	v56 =	vmul.f32 v45, v45;
	v59 =	vmul.f32 v45, v39;
	v2 =	vadd.f32 v30, v2  }
0xa0: {  	v4 =	vadd.f32 v7, v4;
	v60 =	vmul.f32 v50, v50;
	v61 =	vmul.f32 v53, v53  }
0xa1: {  	v36 =	vld.idx.msk [tilespmem:v26+s1+$0x0], $0xffff;
	v3 =	vadd.f32 v42, v3;
	v20 =	vmul.f32 v53, v50;
	v39 =	vmul.f32 v28, v28  }
0xa2: {  	v38 =	vld.idx.msk [tilespmem:v26+s20+$0x0], $0xffff;
	v7 =	vadd.f32 v52, v51;
	v40 =	vmul.f32 v29, v29;
	v43 =	vmul.f32 v33, v28  }
0xa3: {  	v21 =	vld.idx.msk [tilespmem:v55+s1+$0x0], $0xffff;
	v42 =	vor.u32 $0x14, v1;
	v44 =	vmul.f32 v33, v33;
	v11 =	vmul.f32 v54, v50  }
0xa4: {  	v22 =	vld.idx.msk [tilespmem:v55+s20+$0x0], $0xffff;
	v27 =	vmul.f32 v62, v62;
	v30 =	vmul.f32 v62, v57;
	v2 =	vadd.f32 v8, v2  }
0xa5: {  	v25 =	vld.idx.msk [tilespmem:v55+s21+$0x0], $0xffff;
	v50 =	vor.u32 $0x15, v1;
	v4 =	vadd.f32 v47, v4;
	v3 =	vadd.f32 v9, v3  }
0xa6: {  	v7 =	vadd.f32 v56, v7;
	v9 =	vadd.f32 v61, v60;
	v8 =	vmul.f32 v54, v54  }
0xa7: {  	v56 =	vor.u32 $0x16, v1;
	v2 =	vadd.f32 v6, v2;
	v6 =	vadd.f32 v49, v48  }
0xa8: {  	v45 =	vld.idx.msk [tilespmem:v34+s1+$0x0], $0xffff;
	v47 =	vmul.f32 v38, v36;
	v4 =	vadd.f32 v5, v4;
	v3 =	vadd.f32 v59, v3  }
0xa9: {  	v46 =	vld.idx.msk [tilespmem:v34+s20+$0x0], $0xffff;
	v8 =	vadd.f32 v8, v9;
	v31 =	vmul.f32 v22, v21;
	v32 =	vmul.f32 v21, v21  }
0xaa: {  	v5 =	vadd.f32 v24, v23;
	v12 =	vmul.f32 v22, v22;
	v35 =	vmul.f32 v25, v21  }
0xab: {  	v41 =	vld.idx.msk [tilespmem:v26+s21+$0x0], $0xffff;
	v9 =	vmul.f32 v25, v25;
	v48 =	vmul.f32 v36, v36;
	v24 =	vor.u32 $0x17, v1  }
0xac: {  	v49 =	vld.idx.msk [tilespmem:v34+s21+$0x0], $0xffff;
	v2 =	vadd.f32 v6, v2;
	v4 =	vadd.f32 v20, v4;
	v6 =	vmul.f32 v58, v57  }
0xad: {  	v51 =	vld.idx.msk [tilespmem:v42+s1+$0x0], $0xffff;
	v3 =	vadd.f32 v11, v3;
	v5 =	vadd.f32 v27, v5;
	v11 =	vmul.f32 v38, v38  }
0xae: {  	v53 =	vld.idx.msk [tilespmem:v42+s20+$0x0], $0xffff;
	v37 =	vadd.f32 v12, v32;
	v54 =	vmul.f32 v45, v45;
	v55 =	vmul.f32 v46, v46  }
0xaf: {  	v58 =	vld.idx.msk [tilespmem:v42+s21+$0x0], $0xffff;
	v42 =	vor.u32 $0x19, v1;
	v2 =	vadd.f32 v7, v2;
	v4 =	vadd.f32 v6, v4  }
0xb0: {  	v62 =	vld.idx.msk [tilespmem:v50+s1+$0x0], $0xffff;
	v3 =	vadd.f32 v30, v3;
	v6 =	vmul.f32 v29, v28;
	v7 =	vmul.f32 v41, v36  }
0xb1: {  	v63 =	vld.idx.msk [tilespmem:v50+s20+$0x0], $0xffff;
	v52 =	vadd.f32 v11, v48;
	v60 =	vadd.f32 v55, v54;
	v30 =	vor.u32 $0x18, v1  }
0xb2: {  	v21 =	vld.idx.msk [tilespmem:v50+s21+$0x0], $0xffff;
	v48 =	vor.u32 $0x1A, v1;
	v59 =	vmul.f32 v49, v45;
	v2 =	vadd.f32 v8, v2  }
0xb3: {  	v61 =	vmul.f32 v49, v49;
	v4 =	vadd.f32 v31, v4;
	v3 =	vadd.f32 v35, v3  }
0xb4: {  	v23 =	vld.idx.msk [tilespmem:v56+s1+$0x0], $0xffff;
	v8 =	vadd.f32 v9, v37;
	v9 =	vmul.f32 v41, v41;
	v20 =	vmul.f32 v53, v51  }
0xb5: {  	v25 =	vld.idx.msk [tilespmem:v56+s20+$0x0], $0xffff;
	v22 =	vmul.f32 v51, v51;
	v11 =	vmul.f32 v53, v53;
	v19 =	vadd.f32 v61, v60  }
0xb6: {  	v29 =	vld.idx.msk [tilespmem:v56+s21+$0x0], $0xffff;
	v27 =	vmul.f32 v62, v62;
	v28 =	vmul.f32 v63, v63;
	v2 =	vadd.f32 v5, v2  }
0xb7: {  	v33 =	vmul.f32 v21, v21;
	v5 =	vadd.f32 v40, v39;
	v4 =	vadd.f32 v6, v4  }
0xb8: {  	v34 =	vld.idx.msk [tilespmem:v24+s1+$0x0], $0xffff;
	v38 =	vmul.f32 v21, v62;
	v3 =	vadd.f32 v43, v3;
	v57 =	vadd.f32 v9, v52  }
0xb9: {  	v37 =	vld.idx.msk [tilespmem:v24+s20+$0x0], $0xffff;
	v6 =	vmul.f32 v46, v45;
	v26 =	vadd.f32 v11, v22;
	v35 =	vmul.f32 v23, v23  }
0xba: {  	v55 =	vld.idx.msk [tilespmem:v42+s20+$0x0], $0xffff;
	v36 =	vmul.f32 v25, v25;
	v32 =	vadd.f32 v28, v27;
	v2 =	vadd.f32 v8, v2  }
0xbb: {  	v56 =	vld.idx.msk [tilespmem:v42+s21+$0x0], $0xffff;
	v40 =	vmul.f32 v29, v29;
	v5 =	vadd.f32 v44, v5;
	v4 =	vadd.f32 v47, v4  }
0xbc: {  	v39 =	vld.idx.msk [tilespmem:v24+s21+$0x0], $0xffff;
	v3 =	vadd.f32 v7, v3;
	v8 =	vmul.f32 v58, v58;
	v7 =	vmul.f32 v25, v23  }
0xbd: {  	v52 =	vld.idx.msk [tilespmem:v42+s1+$0x0], $0xffff;
	v44 =	vmul.f32 v29, v23;
	v45 =	vmul.f32 v34, v34;
	v25 =	vor.u32 $0x1D, v1  }
0xbe: {  	v41 =	vld.idx.msk [tilespmem:v30+s1+$0x0], $0xffff;
	v46 =	vmul.f32 v37, v37;
	v49 =	vmul.f32 v37, v34;
	v2 =	vadd.f32 v5, v2  }
0xbf: {  	v43 =	vld.idx.msk [tilespmem:v30+s20+$0x0], $0xffff;
	v4 =	vadd.f32 v6, v4;
	v3 =	vadd.f32 v59, v3;
	v5 =	vmul.f32 v58, v51  }
0xc0: {  	v61 =	vld.idx.msk [tilespmem:v48+s20+$0x0], $0xffff;
	v31 =	vadd.f32 v8, v26;
	v6 =	vmul.f32 v63, v62;
	v8 =	vadd.f32 v33, v32  }
0xc1: {  	v21 =	vld.idx.msk [tilespmem:v48+s21+$0x0], $0xffff;
	v63 =	vor.u32 $0x1C, v1;
	v32 =	vor.u32 $0x1E, v1;
	v51 =	vmul.f32 v39, v39  }
0xc2: {  	v47 =	vld.idx.msk [tilespmem:v30+s21+$0x0], $0xffff;
	v50 =	vadd.f32 v46, v45;
	v9 =	vmul.f32 v39, v34;
	v22 =	vmul.f32 v55, v52  }
0xc3: {  	v10 =	vmul.f32 v56, v52;
	v2 =	vadd.f32 v57, v2;
	v4 =	vadd.f32 v20, v4  }
0xc4: {  	v3 =	vadd.f32 v5, v3;
	v5 =	vadd.f32 v36, v35;
	v53 =	vmul.f32 v41, v41  }
0xc5: {  	v59 =	vld.idx.msk [tilespmem:v48+s1+$0x0], $0xffff;
	v54 =	vmul.f32 v43, v43;
	v57 =	vor.u32 $0x1B, v1;
	v20 =	vmul.f32 v55, v55  }
0xc6: {  	v27 =	vmul.f32 v61, v61;
	v29 =	vmul.f32 v21, v21;
	v1 =	vor.u32 $0x1F, v1;
	v34 =	vld.idx.msk [tilespmem:v25+s1+$0x0], $0xffff  }
0xc7: {  	v58 =	vmul.f32 v47, v47;
	v36 =	vld.idx.msk [tilespmem:v25+s20+$0x0], $0xffff;
	v2 =	vadd.f32 v19, v2;
	v4 =	vadd.f32 v6, v4  }
0xc8: {  	v60 =	vmul.f32 v47, v41;
	v39 =	vld.idx.msk [tilespmem:v25+s21+$0x0], $0xffff;
	v3 =	vadd.f32 v38, v3;
	v5 =	vadd.f32 v40, v5  }
0xc9: {  	v6 =	vmul.f32 v43, v41;
	v19 =	vmul.f32 v52, v52;
	v28 =	vld.idx.msk [tilespmem:v63+s1+$0x0], $0xffff;
	v2 =	vadd.f32 v31, v2  }
0xca: {  	v26 =	vmul.f32 v59, v59;
	v30 =	vld.idx.msk [tilespmem:v63+s20+$0x0], $0xffff;
	v4 =	vadd.f32 v7, v4;
	v3 =	vadd.f32 v44, v3  }
0xcb: {  	v42 =	vld.idx.msk [tilespmem:v32+s1+$0x0], $0xffff;
	v7 =	vadd.f32 v54, v53;
	v31 =	vmul.f32 v21, v59;
	v2 =	vadd.f32 v8, v2  }
0xcc: {  	v45 =	vld.idx.msk [tilespmem:v32+s20+$0x0], $0xffff;
	v4 =	vadd.f32 v49, v4;
	v3 =	vadd.f32 v9, v3;
	v8 =	vmul.f32 v56, v56  }
0xcd: {  	v23 =	vld.idx.msk [tilespmem:v57+s1+$0x0], $0xffff;
	v62 =	vadd.f32 v58, v7;
	v9 =	vmul.f32 v61, v59;
	v46 =	vmul.f32 v34, v34  }
0xce: {  	v24 =	vld.idx.msk [tilespmem:v57+s20+$0x0], $0xffff;
	v47 =	vmul.f32 v36, v36;
	v2 =	vadd.f32 v5, v2;
	v5 =	vadd.f32 v51, v50  }
0xcf: {  	v53 =	vmul.f32 v36, v34;
	v4 =	vadd.f32 v6, v4;
	v3 =	vadd.f32 v60, v3  }
0xd0: {  	v11 =	vld.idx.msk [tilespmem:v57+s21+$0x0], $0xffff;
	v6 =	vadd.f32 v27, v26;
	v40 =	vmul.f32 v28, v28;
	v41 =	vmul.f32 v30, v30  }
0xd1: {  	v7 =	vld.idx.msk [tilespmem:v63+s21+$0x0], $0xffff;
	v43 =	vmul.f32 v30, v28;
	v50 =	vadd.f32 v47, v46;
	v51 =	vmul.f32 v39, v39  }
0xd2: {  	v49 =	vld.idx.msk [tilespmem:v1+s1+$0x0], $0xffff;
	v55 =	vmul.f32 v45, v42;
	v2 =	vadd.f32 v5, v2;
	v5 =	vadd.f32 v20, v19  }
0xd3: {  	v52 =	vld.idx.msk [tilespmem:v1+s20+$0x0], $0xffff;
	v4 =	vadd.f32 v22, v4;
	v3 =	vadd.f32 v10, v3;
	v33 =	vmul.f32 v24, v23  }
0xd4: {  	v6 =	vadd.f32 v29, v6;
	v35 =	vmul.f32 v23, v23;
	v12 =	vmul.f32 v24, v24  }
0xd5: {  	v13 =	vld.idx.msk [tilespmem:v32+s21+$0x0], $0xffff;
	v37 =	vmul.f32 v11, v23;
	v54 =	vadd.f32 v51, v50;
	v2 =	vadd.f32 v62, v2  }
0xd6: {  	v44 =	vmul.f32 v7, v7;
	v5 =	vadd.f32 v8, v5;
	v4 =	vadd.f32 v9, v4  }
0xd7: {  	v48 =	vmul.f32 v7, v28;
	v7 =	vmul.f32 v49, v49;
	v3 =	vadd.f32 v31, v3  }
0xd8: {  	v62 =	vmul.f32 v52, v52;
	v2 =	vadd.f32 v5, v2;
	v4 =	vadd.f32 v33, v4  }
0xd9: {  	v38 =	vmul.f32 v11, v11;
	v5 =	vadd.f32 v12, v35;
	v3 =	vadd.f32 v37, v3  }
0xda: {  	v56 =	vmul.f32 v13, v42;
	v63 =	vadd.f32 v62, v7;
	v2 =	vadd.f32 v6, v2  }
0xdb: {  	v1 =	vld.idx.msk [tilespmem:v1+s21+$0x0], $0xffff;
	v57 =	vmul.f32 v42, v42;
	v5 =	vadd.f32 v38, v5;
	v6 =	vadd.f32 v41, v40  }
0xdc: {  	v10 =	vmul.f32 v39, v34;
	v4 =	vadd.f32 v43, v4;
	v3 =	vadd.f32 v48, v3  }
0xdd: {  	v58 =	vmul.f32 v45, v45;
	v2 =	vadd.f32 v5, v2;
	v6 =	vadd.f32 v44, v6  }
0xde: {  	v59 =	vmul.f32 v13, v13;
	v4 =	vadd.f32 v53, v4;
	v3 =	vadd.f32 v10, v3  }
0xdf: {  	v60 =	vmul.f32 v52, v49;
	v5 =	vadd.f32 v58, v57;
	v2 =	vadd.f32 v6, v2  }
0xe0: {  	v61 =	vmul.f32 v1, v49;
	v4 =	vadd.f32 v55, v4;
	v3 =	vadd.f32 v56, v3  }
0xe1: {  	p0 =	sne.s32 s30, $0x70;
	v1 =	vmul.f32 v1, v1;
	v5 =	vadd.f32 v59, v5;
	v2 =	vadd.f32 v54, v2  }
.Ltmp0:
0xe2: {  	v4 =	vadd.f32 v60, v4;
	v3 =	vadd.f32 v61, v3;
	(pc) =	sbr.rel @p0 .LBB2_3-.Ltmp0, $3  }
0xe3: {  	v1 =	vadd.f32 v1, v63  }
0xe4: {  	v3 =	vsub.f32 v4, v3;
	v2 =	vadd.f32 v5, v2;
	_ =	sdelay $0x1  }
0xe5: {  	s30 =	sadd.s32 $0x10, s30;
	[tilespmem:s28+$0x0] =	vst v3;
	v2 =	vadd.f32 v1, v2;
	s28 =	sadd.s32 $0x10, s28  }
0xe6: {  	s29 =	sadd.s32 $0x1, s29  }
0xe7: {  	p0 =	sne.s32 s29, $0x4  }
.Ltmp1:
0xe8: {  	_ = 	snop;
	(pc) =	sbr.rel @p0 .LBB2_2-.Ltmp1, $2  }
0xe9: {  	_ =	sdelay $0x2  }
0xea: {  	s31 =	sadd.s32 $0x80, s31  }
0xeb: {  	[tilespmem:$0x3800] =	vst v2  }
0xec: {  	[hbm4b:s17+s2] =	stream.linear.scatter [tilespmem:s23], [sflag:$0x2], $0x200, $0x38;
	[tilespmem:$0x3810] =	vst v63  }
0xed: {  	s26 =	sadd.s32 $0x1, s26;
	_ =	swait.ge [sflag:s24], $0x200  }
0xee: {  	p0 =	sne.s32 s26, s19;
	[sflag:s24] =	ssyncset.done $0x0  }
.Ltmp2:
0xef: {  	[sflag:s24] =	ssyncadd.s32 $0xFFFFFE00;
	(pc) =	sbr.rel @p0 .LBB2_1-.Ltmp2, $4  }
0xf0: {  	[hbm4b:s18+s2] =	stream.linear.scatter [tilespmem:s25], [sflag:$0x2], $0x10, $0x38;
	[tilespmem:$0x3810] =	vst v63  }
0xf1: {  	_ =	swait.ge [sflag:s24], $0x10  }
0xf2: {  	[sflag:s24] =	ssyncset.done $0x0  }
0xf3: {  	[sflag:s24] =	ssyncadd.s32 $0xFFFFFFF0  }
0xf4: {  	_ =	sfence.sel $0x180000  }
0xf5: {  	[bflag:$0x0] =	sbarrier.arrive $0xFFFF  }
0xf6: {  	_ =	strace $0x90000047  }
0xf7: {  	s0 =	stileid.u32;
	[bflag:$0x2] =	sbarrier.arrive $0xFFFF  }
0xf8: {  	p0 =	sne.s32 s0, $0x0;
	s0 =	rddreg [dreg:$0x4]  }
0xf9: {  	s0 =	sadd.s32 @!p0 $0x100000, s0  }
0xfa: {  	[sflag:s0] =	ssyncadd.tile.s32 @!p0 $0x1;
	_ =	shalt  }
.Lfunc_end2:
_tile_overlayer_lowered:
.L_overlay_start_2:
0xfb: {  	(tag) =	ssettag $0x2  }
0xfc: {  	s0 =	rddreg [dreg:$0x0];
	s2 =	stileid.u32  }
0xfd: {  	s1 =	rddreg [dreg:$0x1];
	p0 =	sne.s32 s2, $0x0  }
0xfe: {  	s3 =	rddreg [dreg:$0x2];
	[bflag:$0x3] =	sbarrier.arrive $0xFFFF;
	s2 =	simm.s32 @!p0 $0x1C02  }
0xff: {  	[timem:s3], [sflag:s2] =	dma.local @!p0 [hbm:s0], s1  }
0x100: {  	s0 =	simm.s32 @!p0 $0x2  }
0x101: {  	_ =	swait.ge @!p0 [sflag:s0], s1  }
0x102: {  	s1 =	ssub.s32 @!p0 $0x0, s1;
	[sflag:s0] =	ssyncset.done @!p0 $0x0  }
0x103: {  	[sflag:s0] =	ssyncadd.s32 @!p0 s1  }
0x104: {  	[bflag:$0x3] =	sbarrier.arrive $0xFFFF  }
0x105: {  	_ =	shalt  }

</sc_bundles>
